<compile_context>
chip_gen: v7x
topology: tpu7x:2x2x1
jax: 0.10.2.dev20260603
libtpu: 0.0.44.dev20260713+nightly
codegen_flags: <defaults>
</compile_context>

<pallas_src>
import jax
import jax.numpy as jnp
from jax import lax
from jax.experimental import pallas as pl
from jax.experimental.pallas import tpu as pltpu
from jax.experimental.pallas import tpu_sc as plsc

_H = 128
_L = 16
_NV = _H // _L
_C = 64
_EPS = 1e-12


def _shuf(x, perm):
    dnums = lax.GatherDimensionNumbers(
        offset_dims=(), collapsed_slice_dims=(0,), start_index_map=(0,))
    return lax.gather(x, perm.reshape(_L, 1), dnums, (1,),
                      mode=lax.GatherScatterMode.PROMISE_IN_BOUNDS)


def _rsqrt(v):
    i = lax.bitcast_convert_type(v, jnp.int32)
    i = jnp.int32(0x5F3759DF) - (i >> 1)
    y = lax.bitcast_convert_type(i, jnp.float32)
    h = 0.5 * v
    y = y * (1.5 - h * (y * y))
    return y


def _make_body(per_w, n_chunks):
    n_pairs = n_chunks // 2

    def _body(ids_h, pids_h, tids_h, wt_h, pt_h, small_h,
              out_h,
              widx, pidx, tidx,
              wrows0, prows0, obuf0, wrows1, prows1, obuf1, small_v,
              semw0, semp0, semo0, semw1, semp1, semo1):
        c = lax.axis_index("c")
        s = lax.axis_index("s")
        wid = s * 2 + c
        base = wid * per_w

        slots = ((wrows0, prows0, obuf0, semw0, semp0, semo0),
                 (wrows1, prows1, obuf1, semw1, semp1, semo1))

        pltpu.sync_copy(ids_h.at[pl.ds(base, per_w)], widx)
        pltpu.sync_copy(pids_h.at[pl.ds(base, per_w)], pidx)
        pltpu.sync_copy(tids_h.at[pl.ds(base, per_w)], tidx)
        pltpu.sync_copy(small_h, small_v)
        g = [small_v[0, pl.ds(k * _L, _L)] for k in range(_NV)]
        b = [small_v[1, pl.ds(k * _L, _L)] for k in range(_NV)]
        t0 = [small_v[2, pl.ds(k * _L, _L)] for k in range(_NV)]
        dt = [small_v[3, pl.ds(k * _L, _L)] for k in range(_NV)]

        def issue_gathers(k, sl):
            wrows, prows = slots[sl][0], slots[sl][1]
            semw, semp = slots[sl][3], slots[sl][4]
            pltpu.async_copy(wt_h.at[widx.at[pl.ds(k * _C, _C)]], wrows, semw)
            pltpu.async_copy(pt_h.at[pidx.at[pl.ds(k * _C, _C)]], prows, semp)

        def wait_gathers(sl):
            wrows, prows = slots[sl][0], slots[sl][1]
            semw, semp = slots[sl][3], slots[sl][4]
            pltpu.make_async_copy(wt_h.at[widx.at[pl.ds(0, _C)]], wrows, semw).wait()
            pltpu.make_async_copy(pt_h.at[pidx.at[pl.ds(0, _C)]], prows, semp).wait()

        def issue_out(k, sl):
            obuf, semo = slots[sl][2], slots[sl][5]
            pltpu.async_copy(obuf, out_h.at[pl.ds(base + k * _C, _C)], semo)

        def wait_out(sl):
            obuf, semo = slots[sl][2], slots[sl][5]
            pltpu.make_async_copy(obuf, out_h.at[pl.ds(0, _C)], semo).wait()

        def compute(k, sl):
            wrows, prows, obuf = slots[sl][0], slots[sl][1], slots[sl][2]
            kbase = k * _C

            @plsc.parallel_loop(0, _C, unroll=4)
            def token(j):
                tgrp = tidx[pl.ds(kbase + (j & jnp.int32(~15)), _L)]
                tf = _shuf(tgrp, jnp.broadcast_to(j & 15, (_L,)))
                x = []
                for k2 in range(_NV):
                    x.append(wrows[j, pl.ds(k2 * _L, _L)]
                             + prows[j, pl.ds(k2 * _L, _L)]
                             + (t0[k2] + tf * dt[k2]))
                xs = ((x[0] + x[1]) + (x[2] + x[3])) + \
                     ((x[4] + x[5]) + (x[6] + x[7]))
                qs = ((x[0] * x[0] + x[1] * x[1]) + (x[2] * x[2] + x[3] * x[3])) + \
                     ((x[4] * x[4] + x[5] * x[5]) + (x[6] * x[6] + x[7] * x[7]))
                mv = jnp.broadcast_to(jnp.sum(xs) * (1.0 / _H), (_L,))
                var = jnp.broadcast_to(jnp.sum(qs) * (1.0 / _H), (_L,)) - mv * mv
                r = _rsqrt(var + _EPS)
                mr = mv * r
                for k2 in range(_NV):
                    a = r * g[k2]
                    obuf[j, pl.ds(k2 * _L, _L)] = x[k2] * a + (b[k2] - mr * g[k2])

        issue_gathers(0, 0)

        def pair(i, carry):
            k0 = 2 * i
            k1 = k0 + 1
            wait_gathers(0)
            issue_gathers(k1, 1)
            pl.when(i >= 1)(lambda: wait_out(0))
            compute(k0, 0)
            issue_out(k0, 0)
            wait_gathers(1)
            pl.when(i < n_pairs - 1)(lambda: issue_gathers(k1 + 1, 0))
            pl.when(i >= 1)(lambda: wait_out(1))
            compute(k1, 1)
            issue_out(k1, 1)
            return carry

        lax.fori_loop(0, n_pairs, pair, 0)
        wait_out(0)
        wait_out(1)

    return _body


def kernel(input_ids, token_type_ids, position_ids, word_table, pos_table,
           type_table, ln_gamma, ln_beta):
    bsz, seq = input_ids.shape
    n = bsz * seq
    info = plsc.get_sparse_core_info()
    nw = info.num_cores * info.num_subcores
    per_w = n // nw
    n_chunks = per_w // _C
    assert per_w * nw == n and n_chunks * _C == per_w and n_chunks % 2 == 0

    ids = input_ids.reshape(n).astype(jnp.int32)
    pids = position_ids.reshape(n).astype(jnp.int32)
    tids = token_type_ids.reshape(n).astype(jnp.float32)
    small = jnp.stack([ln_gamma, ln_beta, type_table[0],
                       type_table[1] - type_table[0]])

    mesh = plsc.VectorSubcoreMesh(core_axis_name="c", subcore_axis_name="s")
    f = pl.kernel(
        _make_body(per_w, n_chunks),
        mesh=mesh,
        compiler_params=pltpu.CompilerParams(needs_layout_passes=False),
        out_type=jax.ShapeDtypeStruct((n, _H), jnp.float32),
        scratch_types=[
            pltpu.VMEM((per_w,), jnp.int32),
            pltpu.VMEM((per_w,), jnp.int32),
            pltpu.VMEM((per_w,), jnp.float32),
            pltpu.VMEM((_C, _H), jnp.float32),
            pltpu.VMEM((_C, _H), jnp.float32),
            pltpu.VMEM((_C, _H), jnp.float32),
            pltpu.VMEM((_C, _H), jnp.float32),
            pltpu.VMEM((_C, _H), jnp.float32),
            pltpu.VMEM((_C, _H), jnp.float32),
            pltpu.VMEM((4, _H), jnp.float32),
            pltpu.SemaphoreType.DMA,
            pltpu.SemaphoreType.DMA,
            pltpu.SemaphoreType.DMA,
            pltpu.SemaphoreType.DMA,
            pltpu.SemaphoreType.DMA,
            pltpu.SemaphoreType.DMA,
        ],
    )
    out = f(ids, pids, tids, word_table, pos_table, small)
    return out.reshape(bsz, seq, _H)

# --- scband reference (transcript-rebuilt; emitter-appended) ---
"""Pipeline reference for scband-bert-embeddings-44521630990444 (READ-ONLY COPY).

The authoritative reference and input builder live on the scoring server;
editing this copy changes nothing except your own understanding.
"""

import jax, jax.numpy as jnp
import numpy as np

VOCAB = 100000
HIDDEN = 128
MAX_POS = 512
TYPE_VOCAB = 2
BATCH = 1024
SEQ = 200
EPS = 1e-12


def setup_inputs(seed: int = 0) -> dict:
    key = jax.random.key(seed)
    k1, k2, k3, k4, k5, k6 = jax.random.split(key, 6)
    input_ids = jax.random.randint(k1, (BATCH, SEQ), 0, VOCAB, dtype=jnp.int64 if jax.config.jax_enable_x64 else jnp.int32)
    token_type_ids = jax.random.randint(k2, (BATCH, SEQ), 0, TYPE_VOCAB, dtype=input_ids.dtype)
    position_ids = jax.random.randint(k3, (BATCH, SEQ), 0, SEQ, dtype=input_ids.dtype)
    word_table = jax.random.normal(k4, (VOCAB, HIDDEN), dtype=jnp.float32) * 0.02
    pos_table = jax.random.normal(k5, (MAX_POS, HIDDEN), dtype=jnp.float32) * 0.02
    type_table = jax.random.normal(k6, (TYPE_VOCAB, HIDDEN), dtype=jnp.float32) * 0.02
    ln_gamma = jnp.ones((HIDDEN,), dtype=jnp.float32)
    ln_beta = jnp.zeros((HIDDEN,), dtype=jnp.float32)
    return {
        "input_ids": input_ids,
        "token_type_ids": token_type_ids,
        "position_ids": position_ids,
        "word_table": word_table,
        "pos_table": pos_table,
        "type_table": type_table,
        "ln_gamma": ln_gamma,
        "ln_beta": ln_beta,
    }


def reference(input_ids, token_type_ids, position_ids, word_table, pos_table, type_table, ln_gamma, ln_beta):
    # Embedding lookups (gathers)
    word_emb = jnp.take(word_table, input_ids, axis=0)
    position_emb = jnp.take(pos_table, position_ids, axis=0)
    token_type_emb = jnp.take(type_table, token_type_ids, axis=0)
    embeddings = word_emb + position_emb + token_type_emb
    # LayerNorm (eps=1e-12), elementwise affine
    mean = jnp.mean(embeddings, axis=-1, keepdims=True)
    var = jnp.mean(jnp.square(embeddings - mean), axis=-1, keepdims=True)
    normed = (embeddings - mean) / jnp.sqrt(var + EPS)
    out = normed * ln_gamma + ln_beta
    # Dropout is identity in eval mode
    return out

if __name__ == "__main__":
    import jax
    _d = setup_inputs()
    print(jax.jit(kernel)(*tuple(_d.values())))

</pallas_src>

<mosaic_0001>
#map = affine_map<(d0, d1) -> (0)>
#map1 = affine_map<(d0, d1) -> (0, 0)>
module attributes {stable_mosaic.version = 14 : i64} {
  func.func @_body(%arg0: i32, %arg1: i32, %arg2: memref<204800xi32, #tpu.memory_space<hbm>>, %arg3: memref<204800xi32, #tpu.memory_space<hbm>>, %arg4: memref<204800xf32, #tpu.memory_space<hbm>>, %arg5: memref<100000x128xf32, #tpu.memory_space<hbm>>, %arg6: memref<512x128xf32, #tpu.memory_space<hbm>>, %arg7: memref<4x128xf32, #tpu.memory_space<hbm>>, %arg8: memref<204800x128xf32, #tpu.memory_space<hbm>>, %arg9: memref<6400xi32, #tpu.memory_space<vmem>>, %arg10: memref<6400xi32, #tpu.memory_space<vmem>>, %arg11: memref<6400xf32, #tpu.memory_space<vmem>>, %arg12: memref<64x128xf32, #tpu.memory_space<vmem>>, %arg13: memref<64x128xf32, #tpu.memory_space<vmem>>, %arg14: memref<64x128xf32, #tpu.memory_space<vmem>>, %arg15: memref<64x128xf32, #tpu.memory_space<vmem>>, %arg16: memref<64x128xf32, #tpu.memory_space<vmem>>, %arg17: memref<64x128xf32, #tpu.memory_space<vmem>>, %arg18: memref<4x128xf32, #tpu.memory_space<vmem>>, %arg19: memref<!tpu.dma_semaphore, #tpu.memory_space<semaphore_mem>>, %arg20: memref<!tpu.dma_semaphore, #tpu.memory_space<semaphore_mem>>, %arg21: memref<!tpu.dma_semaphore, #tpu.memory_space<semaphore_mem>>, %arg22: memref<!tpu.dma_semaphore, #tpu.memory_space<semaphore_mem>>, %arg23: memref<!tpu.dma_semaphore, #tpu.memory_space<semaphore_mem>>, %arg24: memref<!tpu.dma_semaphore, #tpu.memory_space<semaphore_mem>>) attributes {dimension_semantics = [#tpu.dimension_semantics<core_parallel>, #tpu.dimension_semantics<subcore_parallel>], iteration_bounds = array<i64: 2, 16>, scalar_prefetch = 0 : i64, scratch_operands = 16 : i64, tpu.core_type = #tpu.core_type<sc_vector_subcore>, window_params = [{transform_indices = #map}, {transform_indices = #map}, {transform_indices = #map}, {transform_indices = #map1}, {transform_indices = #map1}, {transform_indices = #map1}, {transform_indices = #map1}]} {
    %mul3A = arith.constant 2 : i32
    %mul3A_0 = arith.muli %arg1, %mul3A : i32
    %add3A = arith.addi %mul3A_0, %arg0 : i32
    %mul3A_1 = arith.constant 6400 : i32
    %mul3A_2 = arith.muli %add3A, %mul3A_1 : i32
    "tpu.region"() ({
      %run_scoped3A = tpu.sem_alloc : memref<!tpu.dma_semaphore, #tpu.memory_space<semaphore_mem>>
      %dma_start3A_155 = tpu.memref_slice %arg2[%mul3A_2] : memref<204800xi32, #tpu.memory_space<hbm>> -> memref<6400xi32, #tpu.memory_space<hbm>>
      %dma_start3A_156 = tpu.memref_slice %arg2[%mul3A_2] : memref<204800xi32, #tpu.memory_space<hbm>> -> memref<6400xi32, #tpu.memory_space<hbm>>
      tpu.enqueue_dma source(%dma_start3A_156 : memref<6400xi32, #tpu.memory_space<hbm>>) target(%arg9 : memref<6400xi32, #tpu.memory_space<vmem>>) target_semaphore(%run_scoped3A : memref<!tpu.dma_semaphore, #tpu.memory_space<semaphore_mem>>)
      %dma_wait3A_157 = tpu.memref_slice %arg2[%mul3A_2] : memref<204800xi32, #tpu.memory_space<hbm>> -> memref<6400xi32, #tpu.memory_space<hbm>>
      %dma_wait3A_158 = tpu.memref_slice %arg2[%mul3A_2] : memref<204800xi32, #tpu.memory_space<hbm>> -> memref<6400xi32, #tpu.memory_space<hbm>>
      tpu.wait_dma2 semaphore(%run_scoped3A : memref<!tpu.dma_semaphore, #tpu.memory_space<semaphore_mem>>) src(%dma_wait3A_158 : memref<6400xi32, #tpu.memory_space<hbm>>) dst(%arg9 : memref<6400xi32, #tpu.memory_space<vmem>>)
      tpu.yield
    }) : () -> ()
    "tpu.region"() ({
      %run_scoped3A = tpu.sem_alloc : memref<!tpu.dma_semaphore, #tpu.memory_space<semaphore_mem>>
      %dma_start3A_155 = tpu.memref_slice %arg3[%mul3A_2] : memref<204800xi32, #tpu.memory_space<hbm>> -> memref<6400xi32, #tpu.memory_space<hbm>>
      %dma_start3A_156 = tpu.memref_slice %arg3[%mul3A_2] : memref<204800xi32, #tpu.memory_space<hbm>> -> memref<6400xi32, #tpu.memory_space<hbm>>
      tpu.enqueue_dma source(%dma_start3A_156 : memref<6400xi32, #tpu.memory_space<hbm>>) target(%arg10 : memref<6400xi32, #tpu.memory_space<vmem>>) target_semaphore(%run_scoped3A : memref<!tpu.dma_semaphore, #tpu.memory_space<semaphore_mem>>)
      %dma_wait3A_157 = tpu.memref_slice %arg3[%mul3A_2] : memref<204800xi32, #tpu.memory_space<hbm>> -> memref<6400xi32, #tpu.memory_space<hbm>>
      %dma_wait3A_158 = tpu.memref_slice %arg3[%mul3A_2] : memref<204800xi32, #tpu.memory_space<hbm>> -> memref<6400xi32, #tpu.memory_space<hbm>>
      tpu.wait_dma2 semaphore(%run_scoped3A : memref<!tpu.dma_semaphore, #tpu.memory_space<semaphore_mem>>) src(%dma_wait3A_158 : memref<6400xi32, #tpu.memory_space<hbm>>) dst(%arg10 : memref<6400xi32, #tpu.memory_space<vmem>>)
      tpu.yield
    }) : () -> ()
    "tpu.region"() ({
      %run_scoped3A = tpu.sem_alloc : memref<!tpu.dma_semaphore, #tpu.memory_space<semaphore_mem>>
      %dma_start3A_155 = tpu.memref_slice %arg4[%mul3A_2] : memref<204800xf32, #tpu.memory_space<hbm>> -> memref<6400xf32, #tpu.memory_space<hbm>>
      %dma_start3A_156 = tpu.memref_slice %arg4[%mul3A_2] : memref<204800xf32, #tpu.memory_space<hbm>> -> memref<6400xf32, #tpu.memory_space<hbm>>
      tpu.enqueue_dma source(%dma_start3A_156 : memref<6400xf32, #tpu.memory_space<hbm>>) target(%arg11 : memref<6400xf32, #tpu.memory_space<vmem>>) target_semaphore(%run_scoped3A : memref<!tpu.dma_semaphore, #tpu.memory_space<semaphore_mem>>)
      %dma_wait3A_157 = tpu.memref_slice %arg4[%mul3A_2] : memref<204800xf32, #tpu.memory_space<hbm>> -> memref<6400xf32, #tpu.memory_space<hbm>>
      %dma_wait3A_158 = tpu.memref_slice %arg4[%mul3A_2] : memref<204800xf32, #tpu.memory_space<hbm>> -> memref<6400xf32, #tpu.memory_space<hbm>>
      tpu.wait_dma2 semaphore(%run_scoped3A : memref<!tpu.dma_semaphore, #tpu.memory_space<semaphore_mem>>) src(%dma_wait3A_158 : memref<6400xf32, #tpu.memory_space<hbm>>) dst(%arg11 : memref<6400xf32, #tpu.memory_space<vmem>>)
      tpu.yield
    }) : () -> ()
    "tpu.region"() ({
      %run_scoped3A = tpu.sem_alloc : memref<!tpu.dma_semaphore, #tpu.memory_space<semaphore_mem>>
      tpu.enqueue_dma source(%arg7 : memref<4x128xf32, #tpu.memory_space<hbm>>) target(%arg18 : memref<4x128xf32, #tpu.memory_space<vmem>>) target_semaphore(%run_scoped3A : memref<!tpu.dma_semaphore, #tpu.memory_space<semaphore_mem>>)
      tpu.wait_dma2 semaphore(%run_scoped3A : memref<!tpu.dma_semaphore, #tpu.memory_space<semaphore_mem>>) src(%arg7 : memref<4x128xf32, #tpu.memory_space<hbm>>) dst(%arg18 : memref<4x128xf32, #tpu.memory_space<vmem>>)
      tpu.yield
    }) : () -> ()
    %get3A = arith.constant 0 : i32
    %get3A_3 = arith.index_cast %get3A : i32 to index
    %get3A_4 = arith.constant 0 : index
    %get3A_5 = tpu.vector_load %arg18[%get3A_3, %get3A_4] {strides = array<i32>} : memref<4x128xf32, #tpu.memory_space<vmem>>, vector<16xf32>,
    %get3A_6 = arith.constant 0 : i32
    %get3A_7 = arith.index_cast %get3A_6 : i32 to index
    %get3A_8 = arith.constant 16 : index
    %get3A_9 = tpu.vector_load %arg18[%get3A_7, %get3A_8] {strides = array<i32>} : memref<4x128xf32, #tpu.memory_space<vmem>>, vector<16xf32>,
    %get3A_10 = arith.constant 0 : i32
    %get3A_11 = arith.index_cast %get3A_10 : i32 to index
    %get3A_12 = arith.constant 32 : index
    %get3A_13 = tpu.vector_load %arg18[%get3A_11, %get3A_12] {strides = array<i32>} : memref<4x128xf32, #tpu.memory_space<vmem>>, vector<16xf32>,
    %get3A_14 = arith.constant 0 : i32
    %get3A_15 = arith.index_cast %get3A_14 : i32 to index
    %get3A_16 = arith.constant 48 : index
    %get3A_17 = tpu.vector_load %arg18[%get3A_15, %get3A_16] {strides = array<i32>} : memref<4x128xf32, #tpu.memory_space<vmem>>, vector<16xf32>,
    %get3A_18 = arith.constant 0 : i32
    %get3A_19 = arith.index_cast %get3A_18 : i32 to index
    %get3A_20 = arith.constant 64 : index
    %get3A_21 = tpu.vector_load %arg18[%get3A_19, %get3A_20] {strides = array<i32>} : memref<4x128xf32, #tpu.memory_space<vmem>>, vector<16xf32>,
    %get3A_22 = arith.constant 0 : i32
    %get3A_23 = arith.index_cast %get3A_22 : i32 to index
    %get3A_24 = arith.constant 80 : index
    %get3A_25 = tpu.vector_load %arg18[%get3A_23, %get3A_24] {strides = array<i32>} : memref<4x128xf32, #tpu.memory_space<vmem>>, vector<16xf32>,
    %get3A_26 = arith.constant 0 : i32
    %get3A_27 = arith.index_cast %get3A_26 : i32 to index
    %get3A_28 = arith.constant 96 : index
    %get3A_29 = tpu.vector_load %arg18[%get3A_27, %get3A_28] {strides = array<i32>} : memref<4x128xf32, #tpu.memory_space<vmem>>, vector<16xf32>,
    %get3A_30 = arith.constant 0 : i32
    %get3A_31 = arith.index_cast %get3A_30 : i32 to index
    %get3A_32 = arith.constant 112 : index
    %get3A_33 = tpu.vector_load %arg18[%get3A_31, %get3A_32] {strides = array<i32>} : memref<4x128xf32, #tpu.memory_space<vmem>>, vector<16xf32>,
    %get3A_34 = arith.constant 1 : i32
    %get3A_35 = arith.index_cast %get3A_34 : i32 to index
    %get3A_36 = arith.constant 0 : index
    %get3A_37 = tpu.vector_load %arg18[%get3A_35, %get3A_36] {strides = array<i32>} : memref<4x128xf32, #tpu.memory_space<vmem>>, vector<16xf32>,
    %get3A_38 = arith.constant 1 : i32
    %get3A_39 = arith.index_cast %get3A_38 : i32 to index
    %get3A_40 = arith.constant 16 : index
    %get3A_41 = tpu.vector_load %arg18[%get3A_39, %get3A_40] {strides = array<i32>} : memref<4x128xf32, #tpu.memory_space<vmem>>, vector<16xf32>,
    %get3A_42 = arith.constant 1 : i32
    %get3A_43 = arith.index_cast %get3A_42 : i32 to index
    %get3A_44 = arith.constant 32 : index
    %get3A_45 = tpu.vector_load %arg18[%get3A_43, %get3A_44] {strides = array<i32>} : memref<4x128xf32, #tpu.memory_space<vmem>>, vector<16xf32>,
    %get3A_46 = arith.constant 1 : i32
    %get3A_47 = arith.index_cast %get3A_46 : i32 to index
    %get3A_48 = arith.constant 48 : index
    %get3A_49 = tpu.vector_load %arg18[%get3A_47, %get3A_48] {strides = array<i32>} : memref<4x128xf32, #tpu.memory_space<vmem>>, vector<16xf32>,
    %get3A_50 = arith.constant 1 : i32
    %get3A_51 = arith.index_cast %get3A_50 : i32 to index
    %get3A_52 = arith.constant 64 : index
    %get3A_53 = tpu.vector_load %arg18[%get3A_51, %get3A_52] {strides = array<i32>} : memref<4x128xf32, #tpu.memory_space<vmem>>, vector<16xf32>,
    %get3A_54 = arith.constant 1 : i32
    %get3A_55 = arith.index_cast %get3A_54 : i32 to index
    %get3A_56 = arith.constant 80 : index
    %get3A_57 = tpu.vector_load %arg18[%get3A_55, %get3A_56] {strides = array<i32>} : memref<4x128xf32, #tpu.memory_space<vmem>>, vector<16xf32>,
    %get3A_58 = arith.constant 1 : i32
    %get3A_59 = arith.index_cast %get3A_58 : i32 to index
    %get3A_60 = arith.constant 96 : index
    %get3A_61 = tpu.vector_load %arg18[%get3A_59, %get3A_60] {strides = array<i32>} : memref<4x128xf32, #tpu.memory_space<vmem>>, vector<16xf32>,
    %get3A_62 = arith.constant 1 : i32
    %get3A_63 = arith.index_cast %get3A_62 : i32 to index
    %get3A_64 = arith.constant 112 : index
    %get3A_65 = tpu.vector_load %arg18[%get3A_63, %get3A_64] {strides = array<i32>} : memref<4x128xf32, #tpu.memory_space<vmem>>, vector<16xf32>,
    %get3A_66 = arith.constant 2 : i32
    %get3A_67 = arith.index_cast %get3A_66 : i32 to index
    %get3A_68 = arith.constant 0 : index
    %get3A_69 = tpu.vector_load %arg18[%get3A_67, %get3A_68] {strides = array<i32>} : memref<4x128xf32, #tpu.memory_space<vmem>>, vector<16xf32>,
    %get3A_70 = arith.constant 2 : i32
    %get3A_71 = arith.index_cast %get3A_70 : i32 to index
    %get3A_72 = arith.constant 16 : index
    %get3A_73 = tpu.vector_load %arg18[%get3A_71, %get3A_72] {strides = array<i32>} : memref<4x128xf32, #tpu.memory_space<vmem>>, vector<16xf32>,
    %get3A_74 = arith.constant 2 : i32
    %get3A_75 = arith.index_cast %get3A_74 : i32 to index
    %get3A_76 = arith.constant 32 : index
    %get3A_77 = tpu.vector_load %arg18[%get3A_75, %get3A_76] {strides = array<i32>} : memref<4x128xf32, #tpu.memory_space<vmem>>, vector<16xf32>,
    %get3A_78 = arith.constant 2 : i32
    %get3A_79 = arith.index_cast %get3A_78 : i32 to index
    %get3A_80 = arith.constant 48 : index
    %get3A_81 = tpu.vector_load %arg18[%get3A_79, %get3A_80] {strides = array<i32>} : memref<4x128xf32, #tpu.memory_space<vmem>>, vector<16xf32>,
    %get3A_82 = arith.constant 2 : i32
    %get3A_83 = arith.index_cast %get3A_82 : i32 to index
    %get3A_84 = arith.constant 64 : index
    %get3A_85 = tpu.vector_load %arg18[%get3A_83, %get3A_84] {strides = array<i32>} : memref<4x128xf32, #tpu.memory_space<vmem>>, vector<16xf32>,
    %get3A_86 = arith.constant 2 : i32
    %get3A_87 = arith.index_cast %get3A_86 : i32 to index
    %get3A_88 = arith.constant 80 : index
    %get3A_89 = tpu.vector_load %arg18[%get3A_87, %get3A_88] {strides = array<i32>} : memref<4x128xf32, #tpu.memory_space<vmem>>, vector<16xf32>,
    %get3A_90 = arith.constant 2 : i32
    %get3A_91 = arith.index_cast %get3A_90 : i32 to index
    %get3A_92 = arith.constant 96 : index
    %get3A_93 = tpu.vector_load %arg18[%get3A_91, %get3A_92] {strides = array<i32>} : memref<4x128xf32, #tpu.memory_space<vmem>>, vector<16xf32>,
    %get3A_94 = arith.constant 2 : i32
    %get3A_95 = arith.index_cast %get3A_94 : i32 to index
    %get3A_96 = arith.constant 112 : index
    %get3A_97 = tpu.vector_load %arg18[%get3A_95, %get3A_96] {strides = array<i32>} : memref<4x128xf32, #tpu.memory_space<vmem>>, vector<16xf32>,
    %get3A_98 = arith.constant 3 : i32
    %get3A_99 = arith.index_cast %get3A_98 : i32 to index
    %get3A_100 = arith.constant 0 : index
    %get3A_101 = tpu.vector_load %arg18[%get3A_99, %get3A_100] {strides = array<i32>} : memref<4x128xf32, #tpu.memory_space<vmem>>, vector<16xf32>,
    %get3A_102 = arith.constant 3 : i32
    %get3A_103 = arith.index_cast %get3A_102 : i32 to index
    %get3A_104 = arith.constant 16 : index
    %get3A_105 = tpu.vector_load %arg18[%get3A_103, %get3A_104] {strides = array<i32>} : memref<4x128xf32, #tpu.memory_space<vmem>>, vector<16xf32>,
    %get3A_106 = arith.constant 3 : i32
    %get3A_107 = arith.index_cast %get3A_106 : i32 to index
    %get3A_108 = arith.constant 32 : index
    %get3A_109 = tpu.vector_load %arg18[%get3A_107, %get3A_108] {strides = array<i32>} : memref<4x128xf32, #tpu.memory_space<vmem>>, vector<16xf32>,
    %get3A_110 = arith.constant 3 : i32
    %get3A_111 = arith.index_cast %get3A_110 : i32 to index
    %get3A_112 = arith.constant 48 : index
    %get3A_113 = tpu.vector_load %arg18[%get3A_111, %get3A_112] {strides = array<i32>} : memref<4x128xf32, #tpu.memory_space<vmem>>, vector<16xf32>,
    %get3A_114 = arith.constant 3 : i32
    %get3A_115 = arith.index_cast %get3A_114 : i32 to index
    %get3A_116 = arith.constant 64 : index
    %get3A_117 = tpu.vector_load %arg18[%get3A_115, %get3A_116] {strides = array<i32>} : memref<4x128xf32, #tpu.memory_space<vmem>>, vector<16xf32>,
    %get3A_118 = arith.constant 3 : i32
    %get3A_119 = arith.index_cast %get3A_118 : i32 to index
    %get3A_120 = arith.constant 80 : index
    %get3A_121 = tpu.vector_load %arg18[%get3A_119, %get3A_120] {strides = array<i32>} : memref<4x128xf32, #tpu.memory_space<vmem>>, vector<16xf32>,
    %get3A_122 = arith.constant 3 : i32
    %get3A_123 = arith.index_cast %get3A_122 : i32 to index
    %get3A_124 = arith.constant 96 : index
    %get3A_125 = tpu.vector_load %arg18[%get3A_123, %get3A_124] {strides = array<i32>} : memref<4x128xf32, #tpu.memory_space<vmem>>, vector<16xf32>,
    %get3A_126 = arith.constant 3 : i32
    %get3A_127 = arith.index_cast %get3A_126 : i32 to index
    %get3A_128 = arith.constant 112 : index
    %get3A_129 = tpu.vector_load %arg18[%get3A_127, %get3A_128] {strides = array<i32>} : memref<4x128xf32, #tpu.memory_space<vmem>>, vector<16xf32>,
    %dma_start3A = arith.constant 0 : i32
    %dma_start3A_130 = tpu.memref_slice %arg9[%dma_start3A] : memref<6400xi32, #tpu.memory_space<vmem>> -> memref<64xi32, #tpu.memory_space<vmem>>
    %dma_start3A_131 = arith.constant 0 : i32
    %dma_start3A_132 = arith.constant 0 : i32
    %dma_start3A_133 = tpu.memref_slice %arg5[%dma_start3A_131, %dma_start3A_132] : memref<100000x128xf32, #tpu.memory_space<hbm>> -> memref<100000x128xf32, #tpu.memory_space<hbm>>
    tpu.enqueue_indirect_dma source(%dma_start3A_133 : memref<100000x128xf32, #tpu.memory_space<hbm>>) target(%arg12 : memref<64x128xf32, #tpu.memory_space<vmem>>) offsets(%dma_start3A_130 : memref<64xi32, #tpu.memory_space<vmem>>) semaphore(%arg19 : memref<!tpu.dma_semaphore, #tpu.memory_space<semaphore_mem>>)
    %dma_start3A_134 = arith.constant 0 : i32
    %dma_start3A_135 = tpu.memref_slice %arg10[%dma_start3A_134] : memref<6400xi32, #tpu.memory_space<vmem>> -> memref<64xi32, #tpu.memory_space<vmem>>
    %dma_start3A_136 = arith.constant 0 : i32
    %dma_start3A_137 = arith.constant 0 : i32
    %dma_start3A_138 = tpu.memref_slice %arg6[%dma_start3A_136, %dma_start3A_137] : memref<512x128xf32, #tpu.memory_space<hbm>> -> memref<512x128xf32, #tpu.memory_space<hbm>>
    tpu.enqueue_indirect_dma source(%dma_start3A_138 : memref<512x128xf32, #tpu.memory_space<hbm>>) target(%arg13 : memref<64x128xf32, #tpu.memory_space<vmem>>) offsets(%dma_start3A_135 : memref<64xi32, #tpu.memory_space<vmem>>) semaphore(%arg20 : memref<!tpu.dma_semaphore, #tpu.memory_space<semaphore_mem>>)
    %scan3A = arith.constant 0 : i32
    %scan3A_139 = arith.constant 0 : i32
    %scan3A_140 = arith.constant 50 : i32
    %scan3A_141 = arith.addi %scan3A_139, %scan3A_140 : i32
    %scan3A_142 = arith.constant 1 : i32
    scf.for %scan3A_155 = %scan3A_139 to %scan3A_141 step %scan3A_142  : i32 {
      %mul3A_156 = arith.constant 2 : i32
      %mul3A_157 = arith.muli %mul3A_156, %scan3A_155 : i32
      %add3A_158 = arith.constant 1 : i32
      %add3A_159 = arith.addi %mul3A_157, %add3A_158 : i32
      %dma_wait3A_160 = arith.constant 0 : i32
      %dma_wait3A_161 = tpu.memref_slice %arg9[%dma_wait3A_160] : memref<6400xi32, #tpu.memory_space<vmem>> -> memref<64xi32, #tpu.memory_space<vmem>>
      %dma_wait3A_162 = arith.constant 0 : i32
      %dma_wait3A_163 = arith.constant 0 : i32
      %dma_wait3A_164 = tpu.memref_slice %arg5[%dma_wait3A_162, %dma_wait3A_163] : memref<100000x128xf32, #tpu.memory_space<hbm>> -> memref<100000x128xf32, #tpu.memory_space<hbm>>
      tpu.wait_indirect_dma semaphore(%arg19 : memref<!tpu.dma_semaphore, #tpu.memory_space<semaphore_mem>>) src(%dma_wait3A_164 : memref<100000x128xf32, #tpu.memory_space<hbm>>) dst(%arg12 : memref<64x128xf32, #tpu.memory_space<vmem>>)
      %dma_wait3A_165 = arith.constant 0 : i32
      %dma_wait3A_166 = tpu.memref_slice %arg10[%dma_wait3A_165] : memref<6400xi32, #tpu.memory_space<vmem>> -> memref<64xi32, #tpu.memory_space<vmem>>
      %dma_wait3A_167 = arith.constant 0 : i32
      %dma_wait3A_168 = arith.constant 0 : i32
      %dma_wait3A_169 = tpu.memref_slice %arg6[%dma_wait3A_167, %dma_wait3A_168] : memref<512x128xf32, #tpu.memory_space<hbm>> -> memref<512x128xf32, #tpu.memory_space<hbm>>
      tpu.wait_indirect_dma semaphore(%arg20 : memref<!tpu.dma_semaphore, #tpu.memory_space<semaphore_mem>>) src(%dma_wait3A_169 : memref<512x128xf32, #tpu.memory_space<hbm>>) dst(%arg13 : memref<64x128xf32, #tpu.memory_space<vmem>>)
      %mul3A_170 = arith.constant 64 : i32
      %mul3A_171 = arith.muli %add3A_159, %mul3A_170 : i32
      %dma_start3A_172 = tpu.memref_slice %arg9[%mul3A_171] : memref<6400xi32, #tpu.memory_space<vmem>> -> memref<64xi32, #tpu.memory_space<vmem>>
      %dma_start3A_173 = arith.constant 0 : i32
      %dma_start3A_174 = arith.constant 0 : i32
      %dma_start3A_175 = tpu.memref_slice %arg5[%dma_start3A_173, %dma_start3A_174] : memref<100000x128xf32, #tpu.memory_space<hbm>> -> memref<100000x128xf32, #tpu.memory_space<hbm>>
      tpu.enqueue_indirect_dma source(%dma_start3A_175 : memref<100000x128xf32, #tpu.memory_space<hbm>>) target(%arg15 : memref<64x128xf32, #tpu.memory_space<vmem>>) offsets(%dma_start3A_172 : memref<64xi32, #tpu.memory_space<vmem>>) semaphore(%arg22 : memref<!tpu.dma_semaphore, #tpu.memory_space<semaphore_mem>>)
      %mul3A_176 = arith.constant 64 : i32
      %mul3A_177 = arith.muli %add3A_159, %mul3A_176 : i32
      %dma_start3A_178 = tpu.memref_slice %arg10[%mul3A_177] : memref<6400xi32, #tpu.memory_space<vmem>> -> memref<64xi32, #tpu.memory_space<vmem>>
      %dma_start3A_179 = arith.constant 0 : i32
      %dma_start3A_180 = arith.constant 0 : i32
      %dma_start3A_181 = tpu.memref_slice %arg6[%dma_start3A_179, %dma_start3A_180] : memref<512x128xf32, #tpu.memory_space<hbm>> -> memref<512x128xf32, #tpu.memory_space<hbm>>
      tpu.enqueue_indirect_dma source(%dma_start3A_181 : memref<512x128xf32, #tpu.memory_space<hbm>>) target(%arg16 : memref<64x128xf32, #tpu.memory_space<vmem>>) offsets(%dma_start3A_178 : memref<64xi32, #tpu.memory_space<vmem>>) semaphore(%arg23 : memref<!tpu.dma_semaphore, #tpu.memory_space<semaphore_mem>>)
      %ge3A = arith.constant 1 : i32
      %ge3A_182 = arith.cmpi sge, %scan3A_155, %ge3A : i32
      %convert_element_type3A = arith.extui %ge3A_182 : i1 to i32
      %cond3A = arith.constant 0 : i32
      %cond3A_183 = arith.cmpi ne, %convert_element_type3A, %cond3A : i32
      scf.if %cond3A_183 {
        %dma_wait3A_226 = arith.constant 0 : i32
        %dma_wait3A_227 = arith.constant 0 : i32
        %dma_wait3A_228 = tpu.memref_slice %arg8[%dma_wait3A_226, %dma_wait3A_227] : memref<204800x128xf32, #tpu.memory_space<hbm>> -> memref<64x128xf32, #tpu.memory_space<hbm>>
        %dma_wait3A_229 = arith.constant 0 : i32
        %dma_wait3A_230 = arith.constant 0 : i32
        %dma_wait3A_231 = tpu.memref_slice %arg8[%dma_wait3A_229, %dma_wait3A_230] : memref<204800x128xf32, #tpu.memory_space<hbm>> -> memref<64x128xf32, #tpu.memory_space<hbm>>
        tpu.wait_dma2 semaphore(%arg21 : memref<!tpu.dma_semaphore, #tpu.memory_space<semaphore_mem>>) src(%arg14 : memref<64x128xf32, #tpu.memory_space<vmem>>) dst(%dma_wait3A_231 : memref<64x128xf32, #tpu.memory_space<hbm>>)
      } else {
      }
      %mul3A_184 = arith.constant 64 : i32
      %mul3A_185 = arith.muli %mul3A_157, %mul3A_184 : i32
      %parallel_loop3A = arith.constant 0 : i32
      %parallel_loop3A_186 = arith.constant 64 : i32
      %parallel_loop3A_187 = arith.constant 1 : i32
      scf.for %parallel_loop3A_226 = %parallel_loop3A to %parallel_loop3A_186 step %parallel_loop3A_187  : i32 {
        %parallel_loop3A_227 = arith.constant -16 : i32
        %parallel_loop3A_228 = arith.andi %parallel_loop3A_226, %parallel_loop3A_227 : i32
        %parallel_loop3A_229 = arith.addi %mul3A_185, %parallel_loop3A_228 : i32
        %parallel_loop3A_230 = arith.index_cast %parallel_loop3A_229 : i32 to index
        %parallel_loop3A_231 = tpu.vector_load %arg11[%parallel_loop3A_230] {strides = array<i32>} : memref<6400xf32, #tpu.memory_space<vmem>>, vector<16xf32>,
        %parallel_loop3A_232 = arith.constant 15 : i32
        %parallel_loop3A_233 = arith.andi %parallel_loop3A_226, %parallel_loop3A_232 : i32
        %parallel_loop3A_234 = vector.broadcast %parallel_loop3A_233 : i32 to vector<16xi32>
        %parallel_loop3A_235 = vector.shape_cast %parallel_loop3A_234 : vector<16xi32> to vector<16x1xi32>
        %parallel_loop3A_236 = vector.shape_cast %parallel_loop3A_235 : vector<16x1xi32> to vector<16xi32>
        %parallel_loop3A_237 = tpu.dynamic_gather %parallel_loop3A_231[%parallel_loop3A_236] in [0] : vector<16xf32>, vector<16xi32> -> vector<16xf32>
        %parallel_loop3A_238 = arith.index_cast %parallel_loop3A_226 : i32 to index
        %parallel_loop3A_239 = arith.constant 0 : index
        %parallel_loop3A_240 = tpu.vector_load %arg12[%parallel_loop3A_238, %parallel_loop3A_239] {strides = array<i32>} : memref<64x128xf32, #tpu.memory_space<vmem>>, vector<16xf32>,
        %parallel_loop3A_241 = arith.index_cast %parallel_loop3A_226 : i32 to index
        %parallel_loop3A_242 = arith.constant 0 : index
        %parallel_loop3A_243 = tpu.vector_load %arg13[%parallel_loop3A_241, %parallel_loop3A_242] {strides = array<i32>} : memref<64x128xf32, #tpu.memory_space<vmem>>, vector<16xf32>,
        %parallel_loop3A_244 = arith.addf %parallel_loop3A_240, %parallel_loop3A_243 : vector<16xf32>
        %parallel_loop3A_245 = arith.mulf %parallel_loop3A_237, %get3A_101 : vector<16xf32>
        %parallel_loop3A_246 = arith.addf %get3A_69, %parallel_loop3A_245 : vector<16xf32>
        %parallel_loop3A_247 = arith.addf %parallel_loop3A_244, %parallel_loop3A_246 : vector<16xf32>
        %parallel_loop3A_248 = arith.index_cast %parallel_loop3A_226 : i32 to index
        %parallel_loop3A_249 = arith.constant 16 : index
        %parallel_loop3A_250 = tpu.vector_load %arg12[%parallel_loop3A_248, %parallel_loop3A_249] {strides = array<i32>} : memref<64x128xf32, #tpu.memory_space<vmem>>, vector<16xf32>,
        %parallel_loop3A_251 = arith.index_cast %parallel_loop3A_226 : i32 to index
        %parallel_loop3A_252 = arith.constant 16 : index
        %parallel_loop3A_253 = tpu.vector_load %arg13[%parallel_loop3A_251, %parallel_loop3A_252] {strides = array<i32>} : memref<64x128xf32, #tpu.memory_space<vmem>>, vector<16xf32>,
        %parallel_loop3A_254 = arith.addf %parallel_loop3A_250, %parallel_loop3A_253 : vector<16xf32>
        %parallel_loop3A_255 = arith.mulf %parallel_loop3A_237, %get3A_105 : vector<16xf32>
        %parallel_loop3A_256 = arith.addf %get3A_73, %parallel_loop3A_255 : vector<16xf32>
        %parallel_loop3A_257 = arith.addf %parallel_loop3A_254, %parallel_loop3A_256 : vector<16xf32>
        %parallel_loop3A_258 = arith.index_cast %parallel_loop3A_226 : i32 to index
        %parallel_loop3A_259 = arith.constant 32 : index
        %parallel_loop3A_260 = tpu.vector_load %arg12[%parallel_loop3A_258, %parallel_loop3A_259] {strides = array<i32>} : memref<64x128xf32, #tpu.memory_space<vmem>>, vector<16xf32>,
        %parallel_loop3A_261 = arith.index_cast %parallel_loop3A_226 : i32 to index
        %parallel_loop3A_262 = arith.constant 32 : index
        %parallel_loop3A_263 = tpu.vector_load %arg13[%parallel_loop3A_261, %parallel_loop3A_262] {strides = array<i32>} : memref<64x128xf32, #tpu.memory_space<vmem>>, vector<16xf32>,
        %parallel_loop3A_264 = arith.addf %parallel_loop3A_260, %parallel_loop3A_263 : vector<16xf32>
        %parallel_loop3A_265 = arith.mulf %parallel_loop3A_237, %get3A_109 : vector<16xf32>
        %parallel_loop3A_266 = arith.addf %get3A_77, %parallel_loop3A_265 : vector<16xf32>
        %parallel_loop3A_267 = arith.addf %parallel_loop3A_264, %parallel_loop3A_266 : vector<16xf32>
        %parallel_loop3A_268 = arith.index_cast %parallel_loop3A_226 : i32 to index
        %parallel_loop3A_269 = arith.constant 48 : index
        %parallel_loop3A_270 = tpu.vector_load %arg12[%parallel_loop3A_268, %parallel_loop3A_269] {strides = array<i32>} : memref<64x128xf32, #tpu.memory_space<vmem>>, vector<16xf32>,
        %parallel_loop3A_271 = arith.index_cast %parallel_loop3A_226 : i32 to index
        %parallel_loop3A_272 = arith.constant 48 : index
        %parallel_loop3A_273 = tpu.vector_load %arg13[%parallel_loop3A_271, %parallel_loop3A_272] {strides = array<i32>} : memref<64x128xf32, #tpu.memory_space<vmem>>, vector<16xf32>,
        %parallel_loop3A_274 = arith.addf %parallel_loop3A_270, %parallel_loop3A_273 : vector<16xf32>
        %parallel_loop3A_275 = arith.mulf %parallel_loop3A_237, %get3A_113 : vector<16xf32>
        %parallel_loop3A_276 = arith.addf %get3A_81, %parallel_loop3A_275 : vector<16xf32>
        %parallel_loop3A_277 = arith.addf %parallel_loop3A_274, %parallel_loop3A_276 : vector<16xf32>
        %parallel_loop3A_278 = arith.index_cast %parallel_loop3A_226 : i32 to index
        %parallel_loop3A_279 = arith.constant 64 : index
        %parallel_loop3A_280 = tpu.vector_load %arg12[%parallel_loop3A_278, %parallel_loop3A_279] {strides = array<i32>} : memref<64x128xf32, #tpu.memory_space<vmem>>, vector<16xf32>,
        %parallel_loop3A_281 = arith.index_cast %parallel_loop3A_226 : i32 to index
        %parallel_loop3A_282 = arith.constant 64 : index
        %parallel_loop3A_283 = tpu.vector_load %arg13[%parallel_loop3A_281, %parallel_loop3A_282] {strides = array<i32>} : memref<64x128xf32, #tpu.memory_space<vmem>>, vector<16xf32>,
        %parallel_loop3A_284 = arith.addf %parallel_loop3A_280, %parallel_loop3A_283 : vector<16xf32>
        %parallel_loop3A_285 = arith.mulf %parallel_loop3A_237, %get3A_117 : vector<16xf32>
        %parallel_loop3A_286 = arith.addf %get3A_85, %parallel_loop3A_285 : vector<16xf32>
        %parallel_loop3A_287 = arith.addf %parallel_loop3A_284, %parallel_loop3A_286 : vector<16xf32>
        %parallel_loop3A_288 = arith.index_cast %parallel_loop3A_226 : i32 to index
        %parallel_loop3A_289 = arith.constant 80 : index
        %parallel_loop3A_290 = tpu.vector_load %arg12[%parallel_loop3A_288, %parallel_loop3A_289] {strides = array<i32>} : memref<64x128xf32, #tpu.memory_space<vmem>>, vector<16xf32>,
        %parallel_loop3A_291 = arith.index_cast %parallel_loop3A_226 : i32 to index
        %parallel_loop3A_292 = arith.constant 80 : index
        %parallel_loop3A_293 = tpu.vector_load %arg13[%parallel_loop3A_291, %parallel_loop3A_292] {strides = array<i32>} : memref<64x128xf32, #tpu.memory_space<vmem>>, vector<16xf32>,
        %parallel_loop3A_294 = arith.addf %parallel_loop3A_290, %parallel_loop3A_293 : vector<16xf32>
        %parallel_loop3A_295 = arith.mulf %parallel_loop3A_237, %get3A_121 : vector<16xf32>
        %parallel_loop3A_296 = arith.addf %get3A_89, %parallel_loop3A_295 : vector<16xf32>
        %parallel_loop3A_297 = arith.addf %parallel_loop3A_294, %parallel_loop3A_296 : vector<16xf32>
        %parallel_loop3A_298 = arith.index_cast %parallel_loop3A_226 : i32 to index
        %parallel_loop3A_299 = arith.constant 96 : index
        %parallel_loop3A_300 = tpu.vector_load %arg12[%parallel_loop3A_298, %parallel_loop3A_299] {strides = array<i32>} : memref<64x128xf32, #tpu.memory_space<vmem>>, vector<16xf32>,
        %parallel_loop3A_301 = arith.index_cast %parallel_loop3A_226 : i32 to index
        %parallel_loop3A_302 = arith.constant 96 : index
        %parallel_loop3A_303 = tpu.vector_load %arg13[%parallel_loop3A_301, %parallel_loop3A_302] {strides = array<i32>} : memref<64x128xf32, #tpu.memory_space<vmem>>, vector<16xf32>,
        %parallel_loop3A_304 = arith.addf %parallel_loop3A_300, %parallel_loop3A_303 : vector<16xf32>
        %parallel_loop3A_305 = arith.mulf %parallel_loop3A_237, %get3A_125 : vector<16xf32>
        %parallel_loop3A_306 = arith.addf %get3A_93, %parallel_loop3A_305 : vector<16xf32>
        %parallel_loop3A_307 = arith.addf %parallel_loop3A_304, %parallel_loop3A_306 : vector<16xf32>
        %parallel_loop3A_308 = arith.index_cast %parallel_loop3A_226 : i32 to index
        %parallel_loop3A_309 = arith.constant 112 : index
        %parallel_loop3A_310 = tpu.vector_load %arg12[%parallel_loop3A_308, %parallel_loop3A_309] {strides = array<i32>} : memref<64x128xf32, #tpu.memory_space<vmem>>, vector<16xf32>,
        %parallel_loop3A_311 = arith.index_cast %parallel_loop3A_226 : i32 to index
        %parallel_loop3A_312 = arith.constant 112 : index
        %parallel_loop3A_313 = tpu.vector_load %arg13[%parallel_loop3A_311, %parallel_loop3A_312] {strides = array<i32>} : memref<64x128xf32, #tpu.memory_space<vmem>>, vector<16xf32>,
        %parallel_loop3A_314 = arith.addf %parallel_loop3A_310, %parallel_loop3A_313 : vector<16xf32>
        %parallel_loop3A_315 = arith.mulf %parallel_loop3A_237, %get3A_129 : vector<16xf32>
        %parallel_loop3A_316 = arith.addf %get3A_97, %parallel_loop3A_315 : vector<16xf32>
        %parallel_loop3A_317 = arith.addf %parallel_loop3A_314, %parallel_loop3A_316 : vector<16xf32>
        %parallel_loop3A_318 = arith.addf %parallel_loop3A_247, %parallel_loop3A_257 : vector<16xf32>
        %parallel_loop3A_319 = arith.addf %parallel_loop3A_267, %parallel_loop3A_277 : vector<16xf32>
        %parallel_loop3A_320 = arith.addf %parallel_loop3A_318, %parallel_loop3A_319 : vector<16xf32>
        %parallel_loop3A_321 = arith.addf %parallel_loop3A_287, %parallel_loop3A_297 : vector<16xf32>
        %parallel_loop3A_322 = arith.addf %parallel_loop3A_307, %parallel_loop3A_317 : vector<16xf32>
        %parallel_loop3A_323 = arith.addf %parallel_loop3A_321, %parallel_loop3A_322 : vector<16xf32>
        %parallel_loop3A_324 = arith.addf %parallel_loop3A_320, %parallel_loop3A_323 : vector<16xf32>
        %parallel_loop3A_325 = arith.mulf %parallel_loop3A_247, %parallel_loop3A_247 : vector<16xf32>
        %parallel_loop3A_326 = arith.mulf %parallel_loop3A_257, %parallel_loop3A_257 : vector<16xf32>
        %parallel_loop3A_327 = arith.addf %parallel_loop3A_325, %parallel_loop3A_326 : vector<16xf32>
        %parallel_loop3A_328 = arith.mulf %parallel_loop3A_267, %parallel_loop3A_267 : vector<16xf32>
        %parallel_loop3A_329 = arith.mulf %parallel_loop3A_277, %parallel_loop3A_277 : vector<16xf32>
        %parallel_loop3A_330 = arith.addf %parallel_loop3A_328, %parallel_loop3A_329 : vector<16xf32>
        %parallel_loop3A_331 = arith.addf %parallel_loop3A_327, %parallel_loop3A_330 : vector<16xf32>
        %parallel_loop3A_332 = arith.mulf %parallel_loop3A_287, %parallel_loop3A_287 : vector<16xf32>
        %parallel_loop3A_333 = arith.mulf %parallel_loop3A_297, %parallel_loop3A_297 : vector<16xf32>
        %parallel_loop3A_334 = arith.addf %parallel_loop3A_332, %parallel_loop3A_333 : vector<16xf32>
        %parallel_loop3A_335 = arith.mulf %parallel_loop3A_307, %parallel_loop3A_307 : vector<16xf32>
        %parallel_loop3A_336 = arith.mulf %parallel_loop3A_317, %parallel_loop3A_317 : vector<16xf32>
        %parallel_loop3A_337 = arith.addf %parallel_loop3A_335, %parallel_loop3A_336 : vector<16xf32>
        %parallel_loop3A_338 = arith.addf %parallel_loop3A_334, %parallel_loop3A_337 : vector<16xf32>
        %parallel_loop3A_339 = arith.addf %parallel_loop3A_331, %parallel_loop3A_338 : vector<16xf32>
        %parallel_loop3A_340 = arith.constant true
        %parallel_loop3A_341 = vector.broadcast %parallel_loop3A_340 : i1 to vector<16xi1>
        %parallel_loop3A_342 = tpu.scan <sum>, %parallel_loop3A_324 masked %parallel_loop3A_341 : vector<16xf32>, vector<16xi1> -> vector<16xf32>
        %parallel_loop3A_343 = vector.extract %parallel_loop3A_342[15] : f32 from vector<16xf32>
        %parallel_loop3A_344 = arith.constant 7.812500e-03 : f32
        %parallel_loop3A_345 = arith.mulf %parallel_loop3A_343, %parallel_loop3A_344 : f32
        %parallel_loop3A_346 = vector.broadcast %parallel_loop3A_345 : f32 to vector<16xf32>
        %parallel_loop3A_347 = arith.constant true
        %parallel_loop3A_348 = vector.broadcast %parallel_loop3A_347 : i1 to vector<16xi1>
        %parallel_loop3A_349 = tpu.scan <sum>, %parallel_loop3A_339 masked %parallel_loop3A_348 : vector<16xf32>, vector<16xi1> -> vector<16xf32>
        %parallel_loop3A_350 = vector.extract %parallel_loop3A_349[15] : f32 from vector<16xf32>
        %parallel_loop3A_351 = arith.constant 7.812500e-03 : f32
        %parallel_loop3A_352 = arith.mulf %parallel_loop3A_350, %parallel_loop3A_351 : f32
        %parallel_loop3A_353 = vector.broadcast %parallel_loop3A_352 : f32 to vector<16xf32>
        %parallel_loop3A_354 = arith.mulf %parallel_loop3A_346, %parallel_loop3A_346 : vector<16xf32>
        %parallel_loop3A_355 = arith.subf %parallel_loop3A_353, %parallel_loop3A_354 : vector<16xf32>
        %parallel_loop3A_356 = arith.constant 9.99999996E-13 : f32
        %parallel_loop3A_357 = vector.broadcast %parallel_loop3A_356 : f32 to vector<16xf32>
        %parallel_loop3A_358 = arith.addf %parallel_loop3A_355, %parallel_loop3A_357 : vector<16xf32>
        %parallel_loop3A_359 = tpu.bitcast %parallel_loop3A_358 : vector<16xf32> -> vector<16xi32>
        %parallel_loop3A_360 = arith.constant 1 : i32
        %parallel_loop3A_361 = vector.broadcast %parallel_loop3A_360 : i32 to vector<16xi32>
        %parallel_loop3A_362 = arith.shrsi %parallel_loop3A_359, %parallel_loop3A_361 : vector<16xi32>
        %parallel_loop3A_363 = arith.constant 1597463007 : i32
        %parallel_loop3A_364 = vector.broadcast %parallel_loop3A_363 : i32 to vector<16xi32>
        %parallel_loop3A_365 = arith.subi %parallel_loop3A_364, %parallel_loop3A_362 : vector<16xi32>
        %parallel_loop3A_366 = tpu.bitcast %parallel_loop3A_365 : vector<16xi32> -> vector<16xf32>
        %parallel_loop3A_367 = arith.constant 5.000000e-01 : f32
        %parallel_loop3A_368 = vector.broadcast %parallel_loop3A_367 : f32 to vector<16xf32>
        %parallel_loop3A_369 = arith.mulf %parallel_loop3A_368, %parallel_loop3A_358 : vector<16xf32>
        %parallel_loop3A_370 = arith.mulf %parallel_loop3A_366, %parallel_loop3A_366 : vector<16xf32>
        %parallel_loop3A_371 = arith.mulf %parallel_loop3A_369, %parallel_loop3A_370 : vector<16xf32>
        %parallel_loop3A_372 = arith.constant 1.500000e+00 : f32
        %parallel_loop3A_373 = vector.broadcast %parallel_loop3A_372 : f32 to vector<16xf32>
        %parallel_loop3A_374 = arith.subf %parallel_loop3A_373, %parallel_loop3A_371 : vector<16xf32>
        %parallel_loop3A_375 = arith.mulf %parallel_loop3A_366, %parallel_loop3A_374 : vector<16xf32>
        %parallel_loop3A_376 = arith.mulf %parallel_loop3A_346, %parallel_loop3A_375 : vector<16xf32>
        %parallel_loop3A_377 = arith.mulf %parallel_loop3A_375, %get3A_5 : vector<16xf32>
        %parallel_loop3A_378 = arith.mulf %parallel_loop3A_247, %parallel_loop3A_377 : vector<16xf32>
        %parallel_loop3A_379 = arith.mulf %parallel_loop3A_376, %get3A_5 : vector<16xf32>
        %parallel_loop3A_380 = arith.subf %get3A_37, %parallel_loop3A_379 : vector<16xf32>
        %parallel_loop3A_381 = arith.addf %parallel_loop3A_378, %parallel_loop3A_380 : vector<16xf32>
        %parallel_loop3A_382 = arith.index_cast %parallel_loop3A_226 : i32 to index
        %parallel_loop3A_383 = arith.constant 0 : index
        %parallel_loop3A_384 = tpu.vector_load %arg14[%parallel_loop3A_382, %parallel_loop3A_383] {strides = array<i32>} : memref<64x128xf32, #tpu.memory_space<vmem>>, vector<16xf32>,
        tpu.vector_store %arg14[%parallel_loop3A_382, %parallel_loop3A_383], %parallel_loop3A_381 {strides = array<i32>} : memref<64x128xf32, #tpu.memory_space<vmem>>, vector<16xf32>,
        %parallel_loop3A_385 = arith.mulf %parallel_loop3A_375, %get3A_9 : vector<16xf32>
        %parallel_loop3A_386 = arith.mulf %parallel_loop3A_257, %parallel_loop3A_385 : vector<16xf32>
        %parallel_loop3A_387 = arith.mulf %parallel_loop3A_376, %get3A_9 : vector<16xf32>
        %parallel_loop3A_388 = arith.subf %get3A_41, %parallel_loop3A_387 : vector<16xf32>
        %parallel_loop3A_389 = arith.addf %parallel_loop3A_386, %parallel_loop3A_388 : vector<16xf32>
        %parallel_loop3A_390 = arith.index_cast %parallel_loop3A_226 : i32 to index
        %parallel_loop3A_391 = arith.constant 16 : index
        %parallel_loop3A_392 = tpu.vector_load %arg14[%parallel_loop3A_390, %parallel_loop3A_391] {strides = array<i32>} : memref<64x128xf32, #tpu.memory_space<vmem>>, vector<16xf32>,
        tpu.vector_store %arg14[%parallel_loop3A_390, %parallel_loop3A_391], %parallel_loop3A_389 {strides = array<i32>} : memref<64x128xf32, #tpu.memory_space<vmem>>, vector<16xf32>,
        %parallel_loop3A_393 = arith.mulf %parallel_loop3A_375, %get3A_13 : vector<16xf32>
        %parallel_loop3A_394 = arith.mulf %parallel_loop3A_267, %parallel_loop3A_393 : vector<16xf32>
        %parallel_loop3A_395 = arith.mulf %parallel_loop3A_376, %get3A_13 : vector<16xf32>
        %parallel_loop3A_396 = arith.subf %get3A_45, %parallel_loop3A_395 : vector<16xf32>
        %parallel_loop3A_397 = arith.addf %parallel_loop3A_394, %parallel_loop3A_396 : vector<16xf32>
        %parallel_loop3A_398 = arith.index_cast %parallel_loop3A_226 : i32 to index
        %parallel_loop3A_399 = arith.constant 32 : index
        %parallel_loop3A_400 = tpu.vector_load %arg14[%parallel_loop3A_398, %parallel_loop3A_399] {strides = array<i32>} : memref<64x128xf32, #tpu.memory_space<vmem>>, vector<16xf32>,
        tpu.vector_store %arg14[%parallel_loop3A_398, %parallel_loop3A_399], %parallel_loop3A_397 {strides = array<i32>} : memref<64x128xf32, #tpu.memory_space<vmem>>, vector<16xf32>,
        %parallel_loop3A_401 = arith.mulf %parallel_loop3A_375, %get3A_17 : vector<16xf32>
        %parallel_loop3A_402 = arith.mulf %parallel_loop3A_277, %parallel_loop3A_401 : vector<16xf32>
        %parallel_loop3A_403 = arith.mulf %parallel_loop3A_376, %get3A_17 : vector<16xf32>
        %parallel_loop3A_404 = arith.subf %get3A_49, %parallel_loop3A_403 : vector<16xf32>
        %parallel_loop3A_405 = arith.addf %parallel_loop3A_402, %parallel_loop3A_404 : vector<16xf32>
        %parallel_loop3A_406 = arith.index_cast %parallel_loop3A_226 : i32 to index
        %parallel_loop3A_407 = arith.constant 48 : index
        %parallel_loop3A_408 = tpu.vector_load %arg14[%parallel_loop3A_406, %parallel_loop3A_407] {strides = array<i32>} : memref<64x128xf32, #tpu.memory_space<vmem>>, vector<16xf32>,
        tpu.vector_store %arg14[%parallel_loop3A_406, %parallel_loop3A_407], %parallel_loop3A_405 {strides = array<i32>} : memref<64x128xf32, #tpu.memory_space<vmem>>, vector<16xf32>,
        %parallel_loop3A_409 = arith.mulf %parallel_loop3A_375, %get3A_21 : vector<16xf32>
        %parallel_loop3A_410 = arith.mulf %parallel_loop3A_287, %parallel_loop3A_409 : vector<16xf32>
        %parallel_loop3A_411 = arith.mulf %parallel_loop3A_376, %get3A_21 : vector<16xf32>
        %parallel_loop3A_412 = arith.subf %get3A_53, %parallel_loop3A_411 : vector<16xf32>
        %parallel_loop3A_413 = arith.addf %parallel_loop3A_410, %parallel_loop3A_412 : vector<16xf32>
        %parallel_loop3A_414 = arith.index_cast %parallel_loop3A_226 : i32 to index
        %parallel_loop3A_415 = arith.constant 64 : index
        %parallel_loop3A_416 = tpu.vector_load %arg14[%parallel_loop3A_414, %parallel_loop3A_415] {strides = array<i32>} : memref<64x128xf32, #tpu.memory_space<vmem>>, vector<16xf32>,
        tpu.vector_store %arg14[%parallel_loop3A_414, %parallel_loop3A_415], %parallel_loop3A_413 {strides = array<i32>} : memref<64x128xf32, #tpu.memory_space<vmem>>, vector<16xf32>,
        %parallel_loop3A_417 = arith.mulf %parallel_loop3A_375, %get3A_25 : vector<16xf32>
        %parallel_loop3A_418 = arith.mulf %parallel_loop3A_297, %parallel_loop3A_417 : vector<16xf32>
        %parallel_loop3A_419 = arith.mulf %parallel_loop3A_376, %get3A_25 : vector<16xf32>
        %parallel_loop3A_420 = arith.subf %get3A_57, %parallel_loop3A_419 : vector<16xf32>
        %parallel_loop3A_421 = arith.addf %parallel_loop3A_418, %parallel_loop3A_420 : vector<16xf32>
        %parallel_loop3A_422 = arith.index_cast %parallel_loop3A_226 : i32 to index
        %parallel_loop3A_423 = arith.constant 80 : index
        %parallel_loop3A_424 = tpu.vector_load %arg14[%parallel_loop3A_422, %parallel_loop3A_423] {strides = array<i32>} : memref<64x128xf32, #tpu.memory_space<vmem>>, vector<16xf32>,
        tpu.vector_store %arg14[%parallel_loop3A_422, %parallel_loop3A_423], %parallel_loop3A_421 {strides = array<i32>} : memref<64x128xf32, #tpu.memory_space<vmem>>, vector<16xf32>,
        %parallel_loop3A_425 = arith.mulf %parallel_loop3A_375, %get3A_29 : vector<16xf32>
        %parallel_loop3A_426 = arith.mulf %parallel_loop3A_307, %parallel_loop3A_425 : vector<16xf32>
        %parallel_loop3A_427 = arith.mulf %parallel_loop3A_376, %get3A_29 : vector<16xf32>
        %parallel_loop3A_428 = arith.subf %get3A_61, %parallel_loop3A_427 : vector<16xf32>
        %parallel_loop3A_429 = arith.addf %parallel_loop3A_426, %parallel_loop3A_428 : vector<16xf32>
        %parallel_loop3A_430 = arith.index_cast %parallel_loop3A_226 : i32 to index
        %parallel_loop3A_431 = arith.constant 96 : index
        %parallel_loop3A_432 = tpu.vector_load %arg14[%parallel_loop3A_430, %parallel_loop3A_431] {strides = array<i32>} : memref<64x128xf32, #tpu.memory_space<vmem>>, vector<16xf32>,
        tpu.vector_store %arg14[%parallel_loop3A_430, %parallel_loop3A_431], %parallel_loop3A_429 {strides = array<i32>} : memref<64x128xf32, #tpu.memory_space<vmem>>, vector<16xf32>,
        %parallel_loop3A_433 = arith.mulf %parallel_loop3A_375, %get3A_33 : vector<16xf32>
        %parallel_loop3A_434 = arith.mulf %parallel_loop3A_317, %parallel_loop3A_433 : vector<16xf32>
        %parallel_loop3A_435 = arith.mulf %parallel_loop3A_376, %get3A_33 : vector<16xf32>
        %parallel_loop3A_436 = arith.subf %get3A_65, %parallel_loop3A_435 : vector<16xf32>
        %parallel_loop3A_437 = arith.addf %parallel_loop3A_434, %parallel_loop3A_436 : vector<16xf32>
        %parallel_loop3A_438 = arith.index_cast %parallel_loop3A_226 : i32 to index
        %parallel_loop3A_439 = arith.constant 112 : index
        %parallel_loop3A_440 = tpu.vector_load %arg14[%parallel_loop3A_438, %parallel_loop3A_439] {strides = array<i32>} : memref<64x128xf32, #tpu.memory_space<vmem>>, vector<16xf32>,
        tpu.vector_store %arg14[%parallel_loop3A_438, %parallel_loop3A_439], %parallel_loop3A_437 {strides = array<i32>} : memref<64x128xf32, #tpu.memory_space<vmem>>, vector<16xf32>,
      } {sc.loop_unroll_factor = 4 : i64, sc.parallel_access}
      %mul3A_188 = arith.constant 64 : i32
      %mul3A_189 = arith.muli %mul3A_157, %mul3A_188 : i32
      %add3A_190 = arith.addi %mul3A_2, %mul3A_189 : i32
      %dma_start3A_191 = arith.constant 0 : i32
      %dma_start3A_192 = tpu.memref_slice %arg8[%add3A_190, %dma_start3A_191] : memref<204800x128xf32, #tpu.memory_space<hbm>> -> memref<64x128xf32, #tpu.memory_space<hbm>>
      %dma_start3A_193 = arith.constant 0 : i32
      %dma_start3A_194 = tpu.memref_slice %arg8[%add3A_190, %dma_start3A_193] : memref<204800x128xf32, #tpu.memory_space<hbm>> -> memref<64x128xf32, #tpu.memory_space<hbm>>
      tpu.enqueue_dma source(%arg14 : memref<64x128xf32, #tpu.memory_space<vmem>>) target(%dma_start3A_194 : memref<64x128xf32, #tpu.memory_space<hbm>>) target_semaphore(%arg21 : memref<!tpu.dma_semaphore, #tpu.memory_space<semaphore_mem>>)
      %dma_wait3A_195 = arith.constant 0 : i32
      %dma_wait3A_196 = tpu.memref_slice %arg9[%dma_wait3A_195] : memref<6400xi32, #tpu.memory_space<vmem>> -> memref<64xi32, #tpu.memory_space<vmem>>
      %dma_wait3A_197 = arith.constant 0 : i32
      %dma_wait3A_198 = arith.constant 0 : i32
      %dma_wait3A_199 = tpu.memref_slice %arg5[%dma_wait3A_197, %dma_wait3A_198] : memref<100000x128xf32, #tpu.memory_space<hbm>> -> memref<100000x128xf32, #tpu.memory_space<hbm>>
      tpu.wait_indirect_dma semaphore(%arg22 : memref<!tpu.dma_semaphore, #tpu.memory_space<semaphore_mem>>) src(%dma_wait3A_199 : memref<100000x128xf32, #tpu.memory_space<hbm>>) dst(%arg15 : memref<64x128xf32, #tpu.memory_space<vmem>>)
      %dma_wait3A_200 = arith.constant 0 : i32
      %dma_wait3A_201 = tpu.memref_slice %arg10[%dma_wait3A_200] : memref<6400xi32, #tpu.memory_space<vmem>> -> memref<64xi32, #tpu.memory_space<vmem>>
      %dma_wait3A_202 = arith.constant 0 : i32
      %dma_wait3A_203 = arith.constant 0 : i32
      %dma_wait3A_204 = tpu.memref_slice %arg6[%dma_wait3A_202, %dma_wait3A_203] : memref<512x128xf32, #tpu.memory_space<hbm>> -> memref<512x128xf32, #tpu.memory_space<hbm>>
      tpu.wait_indirect_dma semaphore(%arg23 : memref<!tpu.dma_semaphore, #tpu.memory_space<semaphore_mem>>) src(%dma_wait3A_204 : memref<512x128xf32, #tpu.memory_space<hbm>>) dst(%arg16 : memref<64x128xf32, #tpu.memory_space<vmem>>)
      %lt3A = arith.constant 49 : i32
      %lt3A_205 = arith.cmpi slt, %scan3A_155, %lt3A : i32
      %convert_element_type3A_206 = arith.extui %lt3A_205 : i1 to i32
      %cond3A_207 = arith.constant 0 : i32
      %cond3A_208 = arith.cmpi ne, %convert_element_type3A_206, %cond3A_207 : i32
      scf.if %cond3A_208 {
        %add3A_226 = arith.constant 1 : i32
        %add3A_227 = arith.addi %add3A_159, %add3A_226 : i32
        %mul3A_228 = arith.constant 64 : i32
        %mul3A_229 = arith.muli %add3A_227, %mul3A_228 : i32
        %dma_start3A_230 = tpu.memref_slice %arg9[%mul3A_229] : memref<6400xi32, #tpu.memory_space<vmem>> -> memref<64xi32, #tpu.memory_space<vmem>>
        %dma_start3A_231 = arith.constant 0 : i32
        %dma_start3A_232 = arith.constant 0 : i32
        %dma_start3A_233 = tpu.memref_slice %arg5[%dma_start3A_231, %dma_start3A_232] : memref<100000x128xf32, #tpu.memory_space<hbm>> -> memref<100000x128xf32, #tpu.memory_space<hbm>>
        tpu.enqueue_indirect_dma source(%dma_start3A_233 : memref<100000x128xf32, #tpu.memory_space<hbm>>) target(%arg12 : memref<64x128xf32, #tpu.memory_space<vmem>>) offsets(%dma_start3A_230 : memref<64xi32, #tpu.memory_space<vmem>>) semaphore(%arg19 : memref<!tpu.dma_semaphore, #tpu.memory_space<semaphore_mem>>)
        %mul3A_234 = arith.constant 64 : i32
        %mul3A_235 = arith.muli %add3A_227, %mul3A_234 : i32
        %dma_start3A_236 = tpu.memref_slice %arg10[%mul3A_235] : memref<6400xi32, #tpu.memory_space<vmem>> -> memref<64xi32, #tpu.memory_space<vmem>>
        %dma_start3A_237 = arith.constant 0 : i32
        %dma_start3A_238 = arith.constant 0 : i32
        %dma_start3A_239 = tpu.memref_slice %arg6[%dma_start3A_237, %dma_start3A_238] : memref<512x128xf32, #tpu.memory_space<hbm>> -> memref<512x128xf32, #tpu.memory_space<hbm>>
        tpu.enqueue_indirect_dma source(%dma_start3A_239 : memref<512x128xf32, #tpu.memory_space<hbm>>) target(%arg13 : memref<64x128xf32, #tpu.memory_space<vmem>>) offsets(%dma_start3A_236 : memref<64xi32, #tpu.memory_space<vmem>>) semaphore(%arg20 : memref<!tpu.dma_semaphore, #tpu.memory_space<semaphore_mem>>)
      } else {
      }
      %ge3A_209 = arith.constant 1 : i32
      %ge3A_210 = arith.cmpi sge, %scan3A_155, %ge3A_209 : i32
      %convert_element_type3A_211 = arith.extui %ge3A_210 : i1 to i32
      %cond3A_212 = arith.constant 0 : i32
      %cond3A_213 = arith.cmpi ne, %convert_element_type3A_211, %cond3A_212 : i32
      scf.if %cond3A_213 {
        %dma_wait3A_226 = arith.constant 0 : i32
        %dma_wait3A_227 = arith.constant 0 : i32
        %dma_wait3A_228 = tpu.memref_slice %arg8[%dma_wait3A_226, %dma_wait3A_227] : memref<204800x128xf32, #tpu.memory_space<hbm>> -> memref<64x128xf32, #tpu.memory_space<hbm>>
        %dma_wait3A_229 = arith.constant 0 : i32
        %dma_wait3A_230 = arith.constant 0 : i32
        %dma_wait3A_231 = tpu.memref_slice %arg8[%dma_wait3A_229, %dma_wait3A_230] : memref<204800x128xf32, #tpu.memory_space<hbm>> -> memref<64x128xf32, #tpu.memory_space<hbm>>
        tpu.wait_dma2 semaphore(%arg24 : memref<!tpu.dma_semaphore, #tpu.memory_space<semaphore_mem>>) src(%arg17 : memref<64x128xf32, #tpu.memory_space<vmem>>) dst(%dma_wait3A_231 : memref<64x128xf32, #tpu.memory_space<hbm>>)
      } else {
      }
      %mul3A_214 = arith.constant 64 : i32
      %mul3A_215 = arith.muli %add3A_159, %mul3A_214 : i32
      %parallel_loop3A_216 = arith.constant 0 : i32
      %parallel_loop3A_217 = arith.constant 64 : i32
      %parallel_loop3A_218 = arith.constant 1 : i32
      scf.for %parallel_loop3A_226 = %parallel_loop3A_216 to %parallel_loop3A_217 step %parallel_loop3A_218  : i32 {
        %parallel_loop3A_227 = arith.constant -16 : i32
        %parallel_loop3A_228 = arith.andi %parallel_loop3A_226, %parallel_loop3A_227 : i32
        %parallel_loop3A_229 = arith.addi %mul3A_215, %parallel_loop3A_228 : i32
        %parallel_loop3A_230 = arith.index_cast %parallel_loop3A_229 : i32 to index
        %parallel_loop3A_231 = tpu.vector_load %arg11[%parallel_loop3A_230] {strides = array<i32>} : memref<6400xf32, #tpu.memory_space<vmem>>, vector<16xf32>,
        %parallel_loop3A_232 = arith.constant 15 : i32
        %parallel_loop3A_233 = arith.andi %parallel_loop3A_226, %parallel_loop3A_232 : i32
        %parallel_loop3A_234 = vector.broadcast %parallel_loop3A_233 : i32 to vector<16xi32>
        %parallel_loop3A_235 = vector.shape_cast %parallel_loop3A_234 : vector<16xi32> to vector<16x1xi32>
        %parallel_loop3A_236 = vector.shape_cast %parallel_loop3A_235 : vector<16x1xi32> to vector<16xi32>
        %parallel_loop3A_237 = tpu.dynamic_gather %parallel_loop3A_231[%parallel_loop3A_236] in [0] : vector<16xf32>, vector<16xi32> -> vector<16xf32>
        %parallel_loop3A_238 = arith.index_cast %parallel_loop3A_226 : i32 to index
        %parallel_loop3A_239 = arith.constant 0 : index
        %parallel_loop3A_240 = tpu.vector_load %arg15[%parallel_loop3A_238, %parallel_loop3A_239] {strides = array<i32>} : memref<64x128xf32, #tpu.memory_space<vmem>>, vector<16xf32>,
        %parallel_loop3A_241 = arith.index_cast %parallel_loop3A_226 : i32 to index
        %parallel_loop3A_242 = arith.constant 0 : index
        %parallel_loop3A_243 = tpu.vector_load %arg16[%parallel_loop3A_241, %parallel_loop3A_242] {strides = array<i32>} : memref<64x128xf32, #tpu.memory_space<vmem>>, vector<16xf32>,
        %parallel_loop3A_244 = arith.addf %parallel_loop3A_240, %parallel_loop3A_243 : vector<16xf32>
        %parallel_loop3A_245 = arith.mulf %parallel_loop3A_237, %get3A_101 : vector<16xf32>
        %parallel_loop3A_246 = arith.addf %get3A_69, %parallel_loop3A_245 : vector<16xf32>
        %parallel_loop3A_247 = arith.addf %parallel_loop3A_244, %parallel_loop3A_246 : vector<16xf32>
        %parallel_loop3A_248 = arith.index_cast %parallel_loop3A_226 : i32 to index
        %parallel_loop3A_249 = arith.constant 16 : index
        %parallel_loop3A_250 = tpu.vector_load %arg15[%parallel_loop3A_248, %parallel_loop3A_249] {strides = array<i32>} : memref<64x128xf32, #tpu.memory_space<vmem>>, vector<16xf32>,
        %parallel_loop3A_251 = arith.index_cast %parallel_loop3A_226 : i32 to index
        %parallel_loop3A_252 = arith.constant 16 : index
        %parallel_loop3A_253 = tpu.vector_load %arg16[%parallel_loop3A_251, %parallel_loop3A_252] {strides = array<i32>} : memref<64x128xf32, #tpu.memory_space<vmem>>, vector<16xf32>,
        %parallel_loop3A_254 = arith.addf %parallel_loop3A_250, %parallel_loop3A_253 : vector<16xf32>
        %parallel_loop3A_255 = arith.mulf %parallel_loop3A_237, %get3A_105 : vector<16xf32>
        %parallel_loop3A_256 = arith.addf %get3A_73, %parallel_loop3A_255 : vector<16xf32>
        %parallel_loop3A_257 = arith.addf %parallel_loop3A_254, %parallel_loop3A_256 : vector<16xf32>
        %parallel_loop3A_258 = arith.index_cast %parallel_loop3A_226 : i32 to index
        %parallel_loop3A_259 = arith.constant 32 : index
        %parallel_loop3A_260 = tpu.vector_load %arg15[%parallel_loop3A_258, %parallel_loop3A_259] {strides = array<i32>} : memref<64x128xf32, #tpu.memory_space<vmem>>, vector<16xf32>,
        %parallel_loop3A_261 = arith.index_cast %parallel_loop3A_226 : i32 to index
        %parallel_loop3A_262 = arith.constant 32 : index
        %parallel_loop3A_263 = tpu.vector_load %arg16[%parallel_loop3A_261, %parallel_loop3A_262] {strides = array<i32>} : memref<64x128xf32, #tpu.memory_space<vmem>>, vector<16xf32>,
        %parallel_loop3A_264 = arith.addf %parallel_loop3A_260, %parallel_loop3A_263 : vector<16xf32>
        %parallel_loop3A_265 = arith.mulf %parallel_loop3A_237, %get3A_109 : vector<16xf32>
        %parallel_loop3A_266 = arith.addf %get3A_77, %parallel_loop3A_265 : vector<16xf32>
        %parallel_loop3A_267 = arith.addf %parallel_loop3A_264, %parallel_loop3A_266 : vector<16xf32>
        %parallel_loop3A_268 = arith.index_cast %parallel_loop3A_226 : i32 to index
        %parallel_loop3A_269 = arith.constant 48 : index
        %parallel_loop3A_270 = tpu.vector_load %arg15[%parallel_loop3A_268, %parallel_loop3A_269] {strides = array<i32>} : memref<64x128xf32, #tpu.memory_space<vmem>>, vector<16xf32>,
        %parallel_loop3A_271 = arith.index_cast %parallel_loop3A_226 : i32 to index
        %parallel_loop3A_272 = arith.constant 48 : index
        %parallel_loop3A_273 = tpu.vector_load %arg16[%parallel_loop3A_271, %parallel_loop3A_272] {strides = array<i32>} : memref<64x128xf32, #tpu.memory_space<vmem>>, vector<16xf32>,
        %parallel_loop3A_274 = arith.addf %parallel_loop3A_270, %parallel_loop3A_273 : vector<16xf32>
        %parallel_loop3A_275 = arith.mulf %parallel_loop3A_237, %get3A_113 : vector<16xf32>
        %parallel_loop3A_276 = arith.addf %get3A_81, %parallel_loop3A_275 : vector<16xf32>
        %parallel_loop3A_277 = arith.addf %parallel_loop3A_274, %parallel_loop3A_276 : vector<16xf32>
        %parallel_loop3A_278 = arith.index_cast %parallel_loop3A_226 : i32 to index
        %parallel_loop3A_279 = arith.constant 64 : index
        %parallel_loop3A_280 = tpu.vector_load %arg15[%parallel_loop3A_278, %parallel_loop3A_279] {strides = array<i32>} : memref<64x128xf32, #tpu.memory_space<vmem>>, vector<16xf32>,
        %parallel_loop3A_281 = arith.index_cast %parallel_loop3A_226 : i32 to index
        %parallel_loop3A_282 = arith.constant 64 : index
        %parallel_loop3A_283 = tpu.vector_load %arg16[%parallel_loop3A_281, %parallel_loop3A_282] {strides = array<i32>} : memref<64x128xf32, #tpu.memory_space<vmem>>, vector<16xf32>,
        %parallel_loop3A_284 = arith.addf %parallel_loop3A_280, %parallel_loop3A_283 : vector<16xf32>
        %parallel_loop3A_285 = arith.mulf %parallel_loop3A_237, %get3A_117 : vector<16xf32>
        %parallel_loop3A_286 = arith.addf %get3A_85, %parallel_loop3A_285 : vector<16xf32>
        %parallel_loop3A_287 = arith.addf %parallel_loop3A_284, %parallel_loop3A_286 : vector<16xf32>
        %parallel_loop3A_288 = arith.index_cast %parallel_loop3A_226 : i32 to index
        %parallel_loop3A_289 = arith.constant 80 : index
        %parallel_loop3A_290 = tpu.vector_load %arg15[%parallel_loop3A_288, %parallel_loop3A_289] {strides = array<i32>} : memref<64x128xf32, #tpu.memory_space<vmem>>, vector<16xf32>,
        %parallel_loop3A_291 = arith.index_cast %parallel_loop3A_226 : i32 to index
        %parallel_loop3A_292 = arith.constant 80 : index
        %parallel_loop3A_293 = tpu.vector_load %arg16[%parallel_loop3A_291, %parallel_loop3A_292] {strides = array<i32>} : memref<64x128xf32, #tpu.memory_space<vmem>>, vector<16xf32>,
        %parallel_loop3A_294 = arith.addf %parallel_loop3A_290, %parallel_loop3A_293 : vector<16xf32>
        %parallel_loop3A_295 = arith.mulf %parallel_loop3A_237, %get3A_121 : vector<16xf32>
        %parallel_loop3A_296 = arith.addf %get3A_89, %parallel_loop3A_295 : vector<16xf32>
        %parallel_loop3A_297 = arith.addf %parallel_loop3A_294, %parallel_loop3A_296 : vector<16xf32>
        %parallel_loop3A_298 = arith.index_cast %parallel_loop3A_226 : i32 to index
        %parallel_loop3A_299 = arith.constant 96 : index
        %parallel_loop3A_300 = tpu.vector_load %arg15[%parallel_loop3A_298, %parallel_loop3A_299] {strides = array<i32>} : memref<64x128xf32, #tpu.memory_space<vmem>>, vector<16xf32>,
        %parallel_loop3A_301 = arith.index_cast %parallel_loop3A_226 : i32 to index
        %parallel_loop3A_302 = arith.constant 96 : index
        %parallel_loop3A_303 = tpu.vector_load %arg16[%parallel_loop3A_301, %parallel_loop3A_302] {strides = array<i32>} : memref<64x128xf32, #tpu.memory_space<vmem>>, vector<16xf32>,
        %parallel_loop3A_304 = arith.addf %parallel_loop3A_300, %parallel_loop3A_303 : vector<16xf32>
        %parallel_loop3A_305 = arith.mulf %parallel_loop3A_237, %get3A_125 : vector<16xf32>
        %parallel_loop3A_306 = arith.addf %get3A_93, %parallel_loop3A_305 : vector<16xf32>
        %parallel_loop3A_307 = arith.addf %parallel_loop3A_304, %parallel_loop3A_306 : vector<16xf32>
        %parallel_loop3A_308 = arith.index_cast %parallel_loop3A_226 : i32 to index
        %parallel_loop3A_309 = arith.constant 112 : index
        %parallel_loop3A_310 = tpu.vector_load %arg15[%parallel_loop3A_308, %parallel_loop3A_309] {strides = array<i32>} : memref<64x128xf32, #tpu.memory_space<vmem>>, vector<16xf32>,
        %parallel_loop3A_311 = arith.index_cast %parallel_loop3A_226 : i32 to index
        %parallel_loop3A_312 = arith.constant 112 : index
        %parallel_loop3A_313 = tpu.vector_load %arg16[%parallel_loop3A_311, %parallel_loop3A_312] {strides = array<i32>} : memref<64x128xf32, #tpu.memory_space<vmem>>, vector<16xf32>,
        %parallel_loop3A_314 = arith.addf %parallel_loop3A_310, %parallel_loop3A_313 : vector<16xf32>
        %parallel_loop3A_315 = arith.mulf %parallel_loop3A_237, %get3A_129 : vector<16xf32>
        %parallel_loop3A_316 = arith.addf %get3A_97, %parallel_loop3A_315 : vector<16xf32>
        %parallel_loop3A_317 = arith.addf %parallel_loop3A_314, %parallel_loop3A_316 : vector<16xf32>
        %parallel_loop3A_318 = arith.addf %parallel_loop3A_247, %parallel_loop3A_257 : vector<16xf32>
        %parallel_loop3A_319 = arith.addf %parallel_loop3A_267, %parallel_loop3A_277 : vector<16xf32>
        %parallel_loop3A_320 = arith.addf %parallel_loop3A_318, %parallel_loop3A_319 : vector<16xf32>
        %parallel_loop3A_321 = arith.addf %parallel_loop3A_287, %parallel_loop3A_297 : vector<16xf32>
        %parallel_loop3A_322 = arith.addf %parallel_loop3A_307, %parallel_loop3A_317 : vector<16xf32>
        %parallel_loop3A_323 = arith.addf %parallel_loop3A_321, %parallel_loop3A_322 : vector<16xf32>
        %parallel_loop3A_324 = arith.addf %parallel_loop3A_320, %parallel_loop3A_323 : vector<16xf32>
        %parallel_loop3A_325 = arith.mulf %parallel_loop3A_247, %parallel_loop3A_247 : vector<16xf32>
        %parallel_loop3A_326 = arith.mulf %parallel_loop3A_257, %parallel_loop3A_257 : vector<16xf32>
        %parallel_loop3A_327 = arith.addf %parallel_loop3A_325, %parallel_loop3A_326 : vector<16xf32>
        %parallel_loop3A_328 = arith.mulf %parallel_loop3A_267, %parallel_loop3A_267 : vector<16xf32>
        %parallel_loop3A_329 = arith.mulf %parallel_loop3A_277, %parallel_loop3A_277 : vector<16xf32>
        %parallel_loop3A_330 = arith.addf %parallel_loop3A_328, %parallel_loop3A_329 : vector<16xf32>
        %parallel_loop3A_331 = arith.addf %parallel_loop3A_327, %parallel_loop3A_330 : vector<16xf32>
        %parallel_loop3A_332 = arith.mulf %parallel_loop3A_287, %parallel_loop3A_287 : vector<16xf32>
        %parallel_loop3A_333 = arith.mulf %parallel_loop3A_297, %parallel_loop3A_297 : vector<16xf32>
        %parallel_loop3A_334 = arith.addf %parallel_loop3A_332, %parallel_loop3A_333 : vector<16xf32>
        %parallel_loop3A_335 = arith.mulf %parallel_loop3A_307, %parallel_loop3A_307 : vector<16xf32>
        %parallel_loop3A_336 = arith.mulf %parallel_loop3A_317, %parallel_loop3A_317 : vector<16xf32>
        %parallel_loop3A_337 = arith.addf %parallel_loop3A_335, %parallel_loop3A_336 : vector<16xf32>
        %parallel_loop3A_338 = arith.addf %parallel_loop3A_334, %parallel_loop3A_337 : vector<16xf32>
        %parallel_loop3A_339 = arith.addf %parallel_loop3A_331, %parallel_loop3A_338 : vector<16xf32>
        %parallel_loop3A_340 = arith.constant true
        %parallel_loop3A_341 = vector.broadcast %parallel_loop3A_340 : i1 to vector<16xi1>
        %parallel_loop3A_342 = tpu.scan <sum>, %parallel_loop3A_324 masked %parallel_loop3A_341 : vector<16xf32>, vector<16xi1> -> vector<16xf32>
        %parallel_loop3A_343 = vector.extract %parallel_loop3A_342[15] : f32 from vector<16xf32>
        %parallel_loop3A_344 = arith.constant 7.812500e-03 : f32
        %parallel_loop3A_345 = arith.mulf %parallel_loop3A_343, %parallel_loop3A_344 : f32
        %parallel_loop3A_346 = vector.broadcast %parallel_loop3A_345 : f32 to vector<16xf32>
        %parallel_loop3A_347 = arith.constant true
        %parallel_loop3A_348 = vector.broadcast %parallel_loop3A_347 : i1 to vector<16xi1>
        %parallel_loop3A_349 = tpu.scan <sum>, %parallel_loop3A_339 masked %parallel_loop3A_348 : vector<16xf32>, vector<16xi1> -> vector<16xf32>
        %parallel_loop3A_350 = vector.extract %parallel_loop3A_349[15] : f32 from vector<16xf32>
        %parallel_loop3A_351 = arith.constant 7.812500e-03 : f32
        %parallel_loop3A_352 = arith.mulf %parallel_loop3A_350, %parallel_loop3A_351 : f32
        %parallel_loop3A_353 = vector.broadcast %parallel_loop3A_352 : f32 to vector<16xf32>
        %parallel_loop3A_354 = arith.mulf %parallel_loop3A_346, %parallel_loop3A_346 : vector<16xf32>
        %parallel_loop3A_355 = arith.subf %parallel_loop3A_353, %parallel_loop3A_354 : vector<16xf32>
        %parallel_loop3A_356 = arith.constant 9.99999996E-13 : f32
        %parallel_loop3A_357 = vector.broadcast %parallel_loop3A_356 : f32 to vector<16xf32>
        %parallel_loop3A_358 = arith.addf %parallel_loop3A_355, %parallel_loop3A_357 : vector<16xf32>
        %parallel_loop3A_359 = tpu.bitcast %parallel_loop3A_358 : vector<16xf32> -> vector<16xi32>
        %parallel_loop3A_360 = arith.constant 1 : i32
        %parallel_loop3A_361 = vector.broadcast %parallel_loop3A_360 : i32 to vector<16xi32>
        %parallel_loop3A_362 = arith.shrsi %parallel_loop3A_359, %parallel_loop3A_361 : vector<16xi32>
        %parallel_loop3A_363 = arith.constant 1597463007 : i32
        %parallel_loop3A_364 = vector.broadcast %parallel_loop3A_363 : i32 to vector<16xi32>
        %parallel_loop3A_365 = arith.subi %parallel_loop3A_364, %parallel_loop3A_362 : vector<16xi32>
        %parallel_loop3A_366 = tpu.bitcast %parallel_loop3A_365 : vector<16xi32> -> vector<16xf32>
        %parallel_loop3A_367 = arith.constant 5.000000e-01 : f32
        %parallel_loop3A_368 = vector.broadcast %parallel_loop3A_367 : f32 to vector<16xf32>
        %parallel_loop3A_369 = arith.mulf %parallel_loop3A_368, %parallel_loop3A_358 : vector<16xf32>
        %parallel_loop3A_370 = arith.mulf %parallel_loop3A_366, %parallel_loop3A_366 : vector<16xf32>
        %parallel_loop3A_371 = arith.mulf %parallel_loop3A_369, %parallel_loop3A_370 : vector<16xf32>
        %parallel_loop3A_372 = arith.constant 1.500000e+00 : f32
        %parallel_loop3A_373 = vector.broadcast %parallel_loop3A_372 : f32 to vector<16xf32>
        %parallel_loop3A_374 = arith.subf %parallel_loop3A_373, %parallel_loop3A_371 : vector<16xf32>
        %parallel_loop3A_375 = arith.mulf %parallel_loop3A_366, %parallel_loop3A_374 : vector<16xf32>
        %parallel_loop3A_376 = arith.mulf %parallel_loop3A_346, %parallel_loop3A_375 : vector<16xf32>
        %parallel_loop3A_377 = arith.mulf %parallel_loop3A_375, %get3A_5 : vector<16xf32>
        %parallel_loop3A_378 = arith.mulf %parallel_loop3A_247, %parallel_loop3A_377 : vector<16xf32>
        %parallel_loop3A_379 = arith.mulf %parallel_loop3A_376, %get3A_5 : vector<16xf32>
        %parallel_loop3A_380 = arith.subf %get3A_37, %parallel_loop3A_379 : vector<16xf32>
        %parallel_loop3A_381 = arith.addf %parallel_loop3A_378, %parallel_loop3A_380 : vector<16xf32>
        %parallel_loop3A_382 = arith.index_cast %parallel_loop3A_226 : i32 to index
        %parallel_loop3A_383 = arith.constant 0 : index
        %parallel_loop3A_384 = tpu.vector_load %arg17[%parallel_loop3A_382, %parallel_loop3A_383] {strides = array<i32>} : memref<64x128xf32, #tpu.memory_space<vmem>>, vector<16xf32>,
        tpu.vector_store %arg17[%parallel_loop3A_382, %parallel_loop3A_383], %parallel_loop3A_381 {strides = array<i32>} : memref<64x128xf32, #tpu.memory_space<vmem>>, vector<16xf32>,
        %parallel_loop3A_385 = arith.mulf %parallel_loop3A_375, %get3A_9 : vector<16xf32>
        %parallel_loop3A_386 = arith.mulf %parallel_loop3A_257, %parallel_loop3A_385 : vector<16xf32>
        %parallel_loop3A_387 = arith.mulf %parallel_loop3A_376, %get3A_9 : vector<16xf32>
        %parallel_loop3A_388 = arith.subf %get3A_41, %parallel_loop3A_387 : vector<16xf32>
        %parallel_loop3A_389 = arith.addf %parallel_loop3A_386, %parallel_loop3A_388 : vector<16xf32>
        %parallel_loop3A_390 = arith.index_cast %parallel_loop3A_226 : i32 to index
        %parallel_loop3A_391 = arith.constant 16 : index
        %parallel_loop3A_392 = tpu.vector_load %arg17[%parallel_loop3A_390, %parallel_loop3A_391] {strides = array<i32>} : memref<64x128xf32, #tpu.memory_space<vmem>>, vector<16xf32>,
        tpu.vector_store %arg17[%parallel_loop3A_390, %parallel_loop3A_391], %parallel_loop3A_389 {strides = array<i32>} : memref<64x128xf32, #tpu.memory_space<vmem>>, vector<16xf32>,
        %parallel_loop3A_393 = arith.mulf %parallel_loop3A_375, %get3A_13 : vector<16xf32>
        %parallel_loop3A_394 = arith.mulf %parallel_loop3A_267, %parallel_loop3A_393 : vector<16xf32>
        %parallel_loop3A_395 = arith.mulf %parallel_loop3A_376, %get3A_13 : vector<16xf32>
        %parallel_loop3A_396 = arith.subf %get3A_45, %parallel_loop3A_395 : vector<16xf32>
        %parallel_loop3A_397 = arith.addf %parallel_loop3A_394, %parallel_loop3A_396 : vector<16xf32>
        %parallel_loop3A_398 = arith.index_cast %parallel_loop3A_226 : i32 to index
        %parallel_loop3A_399 = arith.constant 32 : index
        %parallel_loop3A_400 = tpu.vector_load %arg17[%parallel_loop3A_398, %parallel_loop3A_399] {strides = array<i32>} : memref<64x128xf32, #tpu.memory_space<vmem>>, vector<16xf32>,
        tpu.vector_store %arg17[%parallel_loop3A_398, %parallel_loop3A_399], %parallel_loop3A_397 {strides = array<i32>} : memref<64x128xf32, #tpu.memory_space<vmem>>, vector<16xf32>,
        %parallel_loop3A_401 = arith.mulf %parallel_loop3A_375, %get3A_17 : vector<16xf32>
        %parallel_loop3A_402 = arith.mulf %parallel_loop3A_277, %parallel_loop3A_401 : vector<16xf32>
        %parallel_loop3A_403 = arith.mulf %parallel_loop3A_376, %get3A_17 : vector<16xf32>
        %parallel_loop3A_404 = arith.subf %get3A_49, %parallel_loop3A_403 : vector<16xf32>
        %parallel_loop3A_405 = arith.addf %parallel_loop3A_402, %parallel_loop3A_404 : vector<16xf32>
        %parallel_loop3A_406 = arith.index_cast %parallel_loop3A_226 : i32 to index
        %parallel_loop3A_407 = arith.constant 48 : index
        %parallel_loop3A_408 = tpu.vector_load %arg17[%parallel_loop3A_406, %parallel_loop3A_407] {strides = array<i32>} : memref<64x128xf32, #tpu.memory_space<vmem>>, vector<16xf32>,
        tpu.vector_store %arg17[%parallel_loop3A_406, %parallel_loop3A_407], %parallel_loop3A_405 {strides = array<i32>} : memref<64x128xf32, #tpu.memory_space<vmem>>, vector<16xf32>,
        %parallel_loop3A_409 = arith.mulf %parallel_loop3A_375, %get3A_21 : vector<16xf32>
        %parallel_loop3A_410 = arith.mulf %parallel_loop3A_287, %parallel_loop3A_409 : vector<16xf32>
        %parallel_loop3A_411 = arith.mulf %parallel_loop3A_376, %get3A_21 : vector<16xf32>
        %parallel_loop3A_412 = arith.subf %get3A_53, %parallel_loop3A_411 : vector<16xf32>
        %parallel_loop3A_413 = arith.addf %parallel_loop3A_410, %parallel_loop3A_412 : vector<16xf32>
        %parallel_loop3A_414 = arith.index_cast %parallel_loop3A_226 : i32 to index
        %parallel_loop3A_415 = arith.constant 64 : index
        %parallel_loop3A_416 = tpu.vector_load %arg17[%parallel_loop3A_414, %parallel_loop3A_415] {strides = array<i32>} : memref<64x128xf32, #tpu.memory_space<vmem>>, vector<16xf32>,
        tpu.vector_store %arg17[%parallel_loop3A_414, %parallel_loop3A_415], %parallel_loop3A_413 {strides = array<i32>} : memref<64x128xf32, #tpu.memory_space<vmem>>, vector<16xf32>,
        %parallel_loop3A_417 = arith.mulf %parallel_loop3A_375, %get3A_25 : vector<16xf32>
        %parallel_loop3A_418 = arith.mulf %parallel_loop3A_297, %parallel_loop3A_417 : vector<16xf32>
        %parallel_loop3A_419 = arith.mulf %parallel_loop3A_376, %get3A_25 : vector<16xf32>
        %parallel_loop3A_420 = arith.subf %get3A_57, %parallel_loop3A_419 : vector<16xf32>
        %parallel_loop3A_421 = arith.addf %parallel_loop3A_418, %parallel_loop3A_420 : vector<16xf32>
        %parallel_loop3A_422 = arith.index_cast %parallel_loop3A_226 : i32 to index
        %parallel_loop3A_423 = arith.constant 80 : index
        %parallel_loop3A_424 = tpu.vector_load %arg17[%parallel_loop3A_422, %parallel_loop3A_423] {strides = array<i32>} : memref<64x128xf32, #tpu.memory_space<vmem>>, vector<16xf32>,
        tpu.vector_store %arg17[%parallel_loop3A_422, %parallel_loop3A_423], %parallel_loop3A_421 {strides = array<i32>} : memref<64x128xf32, #tpu.memory_space<vmem>>, vector<16xf32>,
        %parallel_loop3A_425 = arith.mulf %parallel_loop3A_375, %get3A_29 : vector<16xf32>
        %parallel_loop3A_426 = arith.mulf %parallel_loop3A_307, %parallel_loop3A_425 : vector<16xf32>
        %parallel_loop3A_427 = arith.mulf %parallel_loop3A_376, %get3A_29 : vector<16xf32>
        %parallel_loop3A_428 = arith.subf %get3A_61, %parallel_loop3A_427 : vector<16xf32>
        %parallel_loop3A_429 = arith.addf %parallel_loop3A_426, %parallel_loop3A_428 : vector<16xf32>
        %parallel_loop3A_430 = arith.index_cast %parallel_loop3A_226 : i32 to index
        %parallel_loop3A_431 = arith.constant 96 : index
        %parallel_loop3A_432 = tpu.vector_load %arg17[%parallel_loop3A_430, %parallel_loop3A_431] {strides = array<i32>} : memref<64x128xf32, #tpu.memory_space<vmem>>, vector<16xf32>,
        tpu.vector_store %arg17[%parallel_loop3A_430, %parallel_loop3A_431], %parallel_loop3A_429 {strides = array<i32>} : memref<64x128xf32, #tpu.memory_space<vmem>>, vector<16xf32>,
        %parallel_loop3A_433 = arith.mulf %parallel_loop3A_375, %get3A_33 : vector<16xf32>
        %parallel_loop3A_434 = arith.mulf %parallel_loop3A_317, %parallel_loop3A_433 : vector<16xf32>
        %parallel_loop3A_435 = arith.mulf %parallel_loop3A_376, %get3A_33 : vector<16xf32>
        %parallel_loop3A_436 = arith.subf %get3A_65, %parallel_loop3A_435 : vector<16xf32>
        %parallel_loop3A_437 = arith.addf %parallel_loop3A_434, %parallel_loop3A_436 : vector<16xf32>
        %parallel_loop3A_438 = arith.index_cast %parallel_loop3A_226 : i32 to index
        %parallel_loop3A_439 = arith.constant 112 : index
        %parallel_loop3A_440 = tpu.vector_load %arg17[%parallel_loop3A_438, %parallel_loop3A_439] {strides = array<i32>} : memref<64x128xf32, #tpu.memory_space<vmem>>, vector<16xf32>,
        tpu.vector_store %arg17[%parallel_loop3A_438, %parallel_loop3A_439], %parallel_loop3A_437 {strides = array<i32>} : memref<64x128xf32, #tpu.memory_space<vmem>>, vector<16xf32>,
      } {sc.loop_unroll_factor = 4 : i64, sc.parallel_access}
      %mul3A_219 = arith.constant 64 : i32
      %mul3A_220 = arith.muli %add3A_159, %mul3A_219 : i32
      %add3A_221 = arith.addi %mul3A_2, %mul3A_220 : i32
      %dma_start3A_222 = arith.constant 0 : i32
      %dma_start3A_223 = tpu.memref_slice %arg8[%add3A_221, %dma_start3A_222] : memref<204800x128xf32, #tpu.memory_space<hbm>> -> memref<64x128xf32, #tpu.memory_space<hbm>>
      %dma_start3A_224 = arith.constant 0 : i32
      %dma_start3A_225 = tpu.memref_slice %arg8[%add3A_221, %dma_start3A_224] : memref<204800x128xf32, #tpu.memory_space<hbm>> -> memref<64x128xf32, #tpu.memory_space<hbm>>
      tpu.enqueue_dma source(%arg17 : memref<64x128xf32, #tpu.memory_space<vmem>>) target(%dma_start3A_225 : memref<64x128xf32, #tpu.memory_space<hbm>>) target_semaphore(%arg24 : memref<!tpu.dma_semaphore, #tpu.memory_space<semaphore_mem>>)
    }
    %scan3A_143 = arith.constant 50 : i32
    %dma_wait3A = arith.constant 0 : i32
    %dma_wait3A_144 = arith.constant 0 : i32
    %dma_wait3A_145 = tpu.memref_slice %arg8[%dma_wait3A, %dma_wait3A_144] : memref<204800x128xf32, #tpu.memory_space<hbm>> -> memref<64x128xf32, #tpu.memory_space<hbm>>
    %dma_wait3A_146 = arith.constant 0 : i32
    %dma_wait3A_147 = arith.constant 0 : i32
    %dma_wait3A_148 = tpu.memref_slice %arg8[%dma_wait3A_146, %dma_wait3A_147] : memref<204800x128xf32, #tpu.memory_space<hbm>> -> memref<64x128xf32, #tpu.memory_space<hbm>>
    tpu.wait_dma2 semaphore(%arg21 : memref<!tpu.dma_semaphore, #tpu.memory_space<semaphore_mem>>) src(%arg14 : memref<64x128xf32, #tpu.memory_space<vmem>>) dst(%dma_wait3A_148 : memref<64x128xf32, #tpu.memory_space<hbm>>)
    %dma_wait3A_149 = arith.constant 0 : i32
    %dma_wait3A_150 = arith.constant 0 : i32
    %dma_wait3A_151 = tpu.memref_slice %arg8[%dma_wait3A_149, %dma_wait3A_150] : memref<204800x128xf32, #tpu.memory_space<hbm>> -> memref<64x128xf32, #tpu.memory_space<hbm>>
    %dma_wait3A_152 = arith.constant 0 : i32
    %dma_wait3A_153 = arith.constant 0 : i32
    %dma_wait3A_154 = tpu.memref_slice %arg8[%dma_wait3A_152, %dma_wait3A_153] : memref<204800x128xf32, #tpu.memory_space<hbm>> -> memref<64x128xf32, #tpu.memory_space<hbm>>
    tpu.wait_dma2 semaphore(%arg24 : memref<!tpu.dma_semaphore, #tpu.memory_space<semaphore_mem>>) src(%arg17 : memref<64x128xf32, #tpu.memory_space<vmem>>) dst(%dma_wait3A_154 : memref<64x128xf32, #tpu.memory_space<hbm>>)
    return
  }
}

</mosaic_0001>

<sc_bundles>
// kernel: kernel.3.cloned.1.call-start
scs
__scs_entry_jumppad:
0x0: {  	(pc) =	sbr.rel $0x88, $3  }
0x1: {  	(tag) =	ssettag $0x0;
	lr =	simm.s32 $0x1  }
0x2: {  	[smem:$0x3F99] =	sst lr;
	_ =	strace $0xD0000000  }
0x3: {  	_ = 	snop  }
0x4: {  	_ = 	snop  }
0x5: {  	_ = 	snop  }
0x6: {  	_ = 	snop  }
0x7: {  	_ = 	snop  }
__scs_overlays_trampoline_lowered:
0x8: {  	[smem:$0x3FA8] =	sst s0  }
0x9: {  	[smem:$0x3FA9] =	sst s1  }
0xa: {  	[smem:$0x3FAA] =	sst s2  }
0xb: {  	[smem:$0x3FAB] =	sst s3  }
0xc: {  	[smem:$0x3FAC] =	sst s4  }
0xd: {  	[smem:$0x3FAD] =	sst s5  }
0xe: {  	[smem:$0x3FAE] =	sst s6  }
0xf: {  	[smem:$0x3FAF] =	sst s7  }
0x10: {  	[smem:$0x3FB0] =	sst s8  }
0x11: {  	[smem:$0x3FB1] =	sst s9;
	s0 =	simm.s32 @!p0 $0x0  }
0x12: {  	s1 =	sld [smem:$0x3F97];
	s0 =	simm.s32 @p0 $0x1  }
0x13: {  	[smem:$0x3FB2] =	sst s0;
	s0 =	simm.s32 @!p1 $0x0  }
0x14: {  	s2 =	sld [smem:$0x3F96];
	s0 =	simm.s32 @p1 $0x1  }
0x15: {  	[smem:$0x3FB3] =	sst s0;
	s0 =	simm.s32 @!p2 $0x0  }
0x16: {  	s3 =	sld [smem:$0x3FDB];
	s0 =	simm.s32 @p2 $0x1  }
0x17: {  	s4 =	simm.s32 $0x1BF5;
	[smem:$0x3FB5] =	sst s0  }
0x18: {  	s0 =	sld [smem:$0x3F98];
	_ =	swait.ge [sflag:s4], $0x0  }
0x19: {  	s7 =	sld [smem:$0x3F99]  }
0x1a: {  	s8 =	sadd.s32 $0xFFFFE003, lr  }
0x1b: {  	s9 =	sadd.s32 $0xFFFFFEF7, lr;
	s5 =	simm.s32 $0xFFFFFFFF;
	p2 =	slt.u32 s8, $0xFFFFF086  }
0x1c: {  	p1 =	slt.u32 s9, $0xF7A;
	s5 =	simm.s32 @!p2 $0x0  }
0x1d: {  	s5 =	simm.s32 @p1 $0x1;
	p0 =	seq.s32 s7, s2  }
0x1e: {  	s7 =	smul.u32 @!p0 $0xF7A, s2;
	p2 =	seq.s32 @!p0 s5, $0x0  }
0x1f: {  	s9 =	smul.u32 $0xF7A, s1;
	s8 =	simm.s32 @!p0 $0x1BF5;
	p2 =	por !p2, p0  }
0x20: {  	[sflag:s8] =	ssyncset.s32 @!p0 $0xFFFFF086;
	s6 =	sadd.s32 @!p0 s3, s7;
	s7 =	simm.s32 @!p0 $0x108  }
0x21: {  	s3 =	sadd.s32 s3, s9;
	s6 =	sadd.s32 @!p0 $0x88, s6;
	s7 =	simm.s32 @p2 $0x1082  }
0x22: {  	[simem:s7], [sflag:s8] =	dma.local @!p0 [hbm:s6], $0xF7A  }
0x23: {  	s9 =	sor.u32 $0xD0000000, s2;
	s6 =	simm.s32 $0x108;
	_ =	swait.ge @!p0 [sflag:s8], $0x0  }
0x24: {  	s3 =	sadd.s32 $0x88, s3;
	s6 =	simm.s32 @!p1 $0x1082;
	[sflag:s4] =	ssyncset.s32 $0xFFFFF086  }
0x25: {  	[simem:s6], [sflag:s4] =	dma.local [hbm:s3], $0xF7A  }
0x26: {  	[smem:$0x3F99] =	sst s1;
	(tag) =	ssettag s2;
	_ =	strace s9  }
0x27: {  	s1 =	sld [smem:$0x3FA9]  }
0x28: {  	s2 =	sld [smem:$0x3FAA]  }
0x29: {  	s4 =	sld [smem:$0x3FAC]  }
0x2a: {  	p0 =	seq.s32 s5, $0x0;
	s5 =	sld [smem:$0x3FAD]  }
0x2b: {  	s6 =	sld [smem:$0x3FAE]  }
0x2c: {  	s7 =	sld [smem:$0x3FAF]  }
0x2d: {  	s3 =	simm.s32 $0x108;
	s8 =	sld [smem:$0x3FB0]  }
0x2e: {  	s3 =	simm.s32 @!p0 $0x1082;
	s9 =	sld [smem:$0x3FB1]  }
0x2f: {  	lr =	sadd.s32 s0, s3;
	s0 =	sld [smem:$0x3FA8]  }
0x30: {  	s3 =	sld [smem:$0x3FAB]  }
0x31: {  	[smem:$0x3FB4] =	sst s10  }
0x32: {  	s10 =	sld [smem:$0x3FB2];
	_ =	sdelay $0x3  }
0x33: {  	p0 =	seq.s32 s10, $0x1;
	s10 =	sld [smem:$0x3FB4];
	_ =	sdelay $0x3  }
0x34: {  	[smem:$0x3FB4] =	sst s10  }
0x35: {  	s10 =	sld [smem:$0x3FB3];
	_ =	sdelay $0x3  }
0x36: {  	p1 =	seq.s32 s10, $0x1;
	s10 =	sld [smem:$0x3FB4];
	_ =	sdelay $0x3  }
0x37: {  	[smem:$0x3FB4] =	sst s10  }
0x38: {  	s10 =	sld [smem:$0x3FB5]  }
0x39: {  	_ = 	snop;
	(pc) =	sbr.ind lr, $3  }
0x3a: {  	_ = 	snop  }
0x3b: {  	_ = 	snop  }
0x3c: {  	p2 =	seq.s32 s10, $0x1;
	s10 =	sld [smem:$0x3FB4]  }
0x3d: {  	_ =	shalt  }
0x3e: {  	_ =	shalt  }
0x3f: {  	_ =	shalt  }
0x40: {  	_ =	shalt  }
0x41: {  	_ =	shalt  }
0x42: {  	_ =	shalt  }
0x43: {  	_ =	shalt  }
0x44: {  	_ =	shalt  }
0x45: {  	_ =	shalt  }
0x46: {  	_ =	shalt  }
0x47: {  	_ =	shalt  }
0x48: {  	_ =	shalt  }
0x49: {  	_ =	shalt  }
0x4a: {  	_ =	shalt  }
0x4b: {  	_ =	shalt  }
0x4c: {  	_ =	shalt  }
0x4d: {  	_ =	shalt  }
0x4e: {  	_ =	shalt  }
0x4f: {  	_ =	shalt  }
0x50: {  	_ =	shalt  }
0x51: {  	_ =	shalt  }
0x52: {  	_ =	shalt  }
0x53: {  	_ =	shalt  }
0x54: {  	_ =	shalt  }
0x55: {  	_ =	shalt  }
0x56: {  	_ =	shalt  }
0x57: {  	_ =	shalt  }
0x58: {  	_ =	shalt  }
0x59: {  	_ =	shalt  }
0x5a: {  	_ =	shalt  }
0x5b: {  	_ =	shalt  }
0x5c: {  	_ =	shalt  }
0x5d: {  	_ =	shalt  }
0x5e: {  	_ =	shalt  }
0x5f: {  	_ =	shalt  }
0x60: {  	_ =	shalt  }
0x61: {  	_ =	shalt  }
0x62: {  	_ =	shalt  }
0x63: {  	_ =	shalt  }
0x64: {  	_ =	shalt  }
0x65: {  	_ =	shalt  }
0x66: {  	_ =	shalt  }
0x67: {  	_ =	shalt  }
0x68: {  	_ =	shalt  }
0x69: {  	_ =	shalt  }
0x6a: {  	_ =	shalt  }
0x6b: {  	_ =	shalt  }
0x6c: {  	_ =	shalt  }
0x6d: {  	_ =	shalt  }
0x6e: {  	_ =	shalt  }
0x6f: {  	_ =	shalt  }
0x70: {  	_ =	shalt  }
0x71: {  	_ =	shalt  }
0x72: {  	_ =	shalt  }
0x73: {  	_ =	shalt  }
0x74: {  	_ =	shalt  }
0x75: {  	_ =	shalt  }
0x76: {  	_ =	shalt  }
0x77: {  	_ =	shalt  }
0x78: {  	_ =	shalt  }
0x79: {  	_ =	shalt  }
0x7a: {  	_ =	shalt  }
0x7b: {  	_ =	shalt  }
0x7c: {  	_ =	shalt  }
0x7d: {  	_ =	shalt  }
0x7e: {  	_ =	shalt  }
0x7f: {  	_ =	shalt  }
0x80: {  	_ =	shalt  }
0x81: {  	_ =	shalt  }
0x82: {  	_ =	shalt  }
0x83: {  	_ =	shalt  }
0x84: {  	_ =	shalt  }
0x85: {  	_ =	shalt  }
0x86: {  	_ =	shalt  }
0x87: {  	_ =	shalt  }
.Lfunc_end0:
.L_simem_size_0:
called_computation_lowered:
.L_overlay_start_0:
0x88: {  	s2 =	sld [smem:$0x3FD9]  }
0x89: {  	s3 =	sld [smem:$0x3FFE];
	_ =	sdelay $0x1  }
0x8a: {  	s1 =	srdreg.scid  }
0x8b: {  	s0 =	sand.u32 $0x1, s1  }
0x8c: {  	s17 =	sshll.u32 s0, $0xA;
	s2 =	sadd.s32 s3, s2  }
0x8d: {  	s2 =	sadd.s32 s2, s17  }
0x8e: {  	[smem:$0x3FC0] =	sst s2  }
0x8f: {  	_ = 	snop  }
0x90: {  	s2 =	sld [smem:$0x3FC6]  }
0x91: {  	s18 =	sld [smem:$0x3FC5]  }
0x92: {  	s4 =	sld [smem:$0x3FD0];
	(tm) =	ssettm $0x1  }
0x93: {  	s5 =	sld [smem:$0x3FFB];
	_ =	sdelay $0x3  }
0x94: {  	_ =	strace s5  }
0x95: {  	s5 =	sld [smem:$0x3FFC];
	_ =	sdelay $0x3  }
0x96: {  	_ =	strace s5  }
0x97: {  	s5 =	sld [smem:$0x3FFD];
	_ =	sdelay $0x3  }
0x98: {  	_ =	strace s5  }
0x99: {  	_ =	strace $0x8FFFFFFF  }
0x9a: {  	s19 =	sld [smem:$0x3FDB];
	_ =	sdelay $0x1  }
0x9b: {  	s6 =	simm.s32 $_scs_section_size  }
0x9c: {  	s7 =	simm.s32 $_size__tile_overlayer_lowered;
	s8 =	simm.s32 $_tile_overlayer_lowered  }
0x9d: {  	s22 =	simm.s32 $0x1BFF;
	s21 =	sshll.u32 s8, $0x1;
	s5 =	sadd.s32 s6, s19  }
0x9e: {  	s9 =	simm.s32 $0x0;
	s20 =	sshll.u32 s7, $0x1;
	s7 =	sadd.s32 s21, s5  }
0x9f: {  	[timem:s9], [sflag:s22] =	dma.local [hbm:s7], s20  }
0xa0: {  	_ =	swait.ge [sflag:s22], s20  }
0xa1: {  	s6 =	ssub.s32 $0x0, s20;
	[sflag:s22] =	ssyncset.done $0x0  }
0xa2: {  	[sflag:s22] =	ssyncadd.s32 s6;
	_ =	sdelay $0x1  }
0xa3: {  	s23 =	simm.s32 $0x1B8B  }
0xa4: {  	_ =	swait.ge [sflag:s23], $0x1  }
0xa5: {  	[sflag:s23] =	ssyncset.done $0x0  }
0xa6: {  	s25 =	simm.s32 $0x1B8E;
	s24 =	sld [smem:$0x3FFE];
	[sflag:s23] =	ssyncadd.s32 $0xFFFFFFFF  }
0xa7: {  	s26 =	simm.s32 $execute0_lowered;
	[smem:$0x3FD2] =	sst s25  }
0xa8: {  	s7 =	sshll.u32 s26, $0x1;
	_ =	strace $0x80000046;
	[dreg:$0x1] =	wrdreg $0xFFFFFFFF  }
0xa9: {  	s28 =	simm.s32 $_size_execute0_lowered;
	s5 =	sadd.s32 s5, s7;
	[dreg:$0x0] =	wrdreg $0x0  }
0xaa: {  	s7 =	sshll.u32 s28, $0x1;
	[dreg:$0x2] =	wrdreg s5  }
0xab: {  	[dreg:$0x3] =	wrdreg s7  }
0xac: {  	[dreg:$0x4] =	wrdreg $0xC0  }
0xad: {  	_ =	task [dreg:s9], $0x5FFFF  }
0xae: {  	[dreg:$0x1] =	wrdreg $0xFFFFFFFF  }
0xaf: {  	[dreg:$0x0] =	wrdreg $0x60  }
0xb0: {  	[dreg:$0x2] =	wrdreg s24  }
0xb1: {  	[dreg:$0x3] =	wrdreg s2  }
0xb2: {  	[dreg:$0x4] =	wrdreg s18  }
0xb3: {  	[dreg:$0x5] =	wrdreg s4  }
0xb4: {  	[dreg:$0x6] =	wrdreg $0x9  }
0xb5: {  	_ =	task.clear_ibuf [dreg:s9], $0x7FFFF;
	_ =	strace $0x90000046  }
0xb6: {  	s29 =	simm.s32 $0x9;
	_ =	strace $0x80000048  }
0xb7: {  	_ =	swait.ge [sflag:s29], $0x1  }
0xb8: {  	[sflag:s29] =	ssyncadd.s32 $0xFFFFFFFF  }
0xb9: {  	_ =	strace $0x90000048  }
0xba: {  	_ =	sfence  }
0xbb: {  	s30 =	sld [smem:$0x0];
	_ =	sdelay $0x2  }
0xbc: {  	s31 =	sshll.u32 s1, $0xD;
	s1 =	sshrl.u32 s1, $0x2  }
0xbd: {  	s3 =	sand.u32 $0x4000, s31;
	s1 =	sadd.s32 s1, s30  }
0xbe: {  	s0 =	sor.u32 s3, s0;
	s1 =	sshll.u32 s1, $0x11  }
0xbf: {  	s0 =	sor.u32 s1, s0  }
0xc0: {  	s0 =	sadd.s32 $0x8F2B, s0  }
0xc1: {  	[sflag:s0] =	ssyncadd.remote.s32 $0x1  }
0xc2: {  	_ =	sfence.sel $0xFFFF  }
0xc3: {  	[dreg:$0x0] =	wrdreg $0xFFFFFFFF;
	(pc) =	sbr.abs _section_cstart, $3  }
0xc4: {  	[dreg:$0x1] =	wrdreg $0xFFFFFFFF  }
0xc5: {  	_ =	task.clear_ibuf [dreg:s9], $0x2FFFF;
	_ =	strace $0x9FFFFFFF  }
0xc6: {  	(tm) =	ssettm $0x7FFFFFFF  }
0xc7: {  	_ =	shalt  }
tec
execute0_lowered:
.L_overlay_start_1:
0x0: {  	(tag) =	ssettag $0x1  }
0x1: {  	s0 =	rddreg [dreg:$0x0]  }
0x2: {  	s2 =	srdreg.scid;
	s3 =	stileid.u32  }
0x3: {  	s1 =	rddreg [dreg:$0x1];
	s6 =	simm.s32 $0x0;
	s12 =	simm.s32 $0x7  }
0x4: {  	s16 =	simm.s32 $0x40;
	s19 =	simm.s32 $0x1;
	s20 =	simm.s32 $0x2  }
0x5: {  	s21 =	simm.s32 $0xAB00;
	s22 =	simm.s32 $0xCB00;
	s23 =	simm.s32 $0x8B00  }
0x6: {  	s24 =	simm.s32 $0x4;
	s2 =	sand.u32 $0x1, s2;
	s4 =	sshll.u32 s3, $0x1  }
0x7: {  	s28 =	simm.s32 $0x3;
	s3 =	rddreg [dreg:$0x2];
	s5 =	sor.u32 s2, s4  }
0x8: {  	s29 =	simm.s32 $0x6;
	[smem:$0x7FF] =	sst s6;
	s5 =	smul.u32 $0x1900, s5  }
0x9: {  	s30 =	simm.s32 $0x0;
	s4 =	rddreg [dreg:$0x3];
	s2 =	ssub.s32 $0x2, s2  }
0xa: {  	_ =	strace $0x80000047;
	s8 =	sshrl.u32 s2, $0x1;
	s7 =	sshrl.u32 s5, $0x3  }
0xb: {  	s25 =	ssub.s32 s2, s8;
	s7 =	sadd.s32 s7, s0;
	s0 =	sadd.s32 $0x13200, s0  }
0xc: {  	s11 =	smax.u32 s25, $0x1;
	[dreg:$0x5] =	wrdreg s0;
	s26 =	sadd.s32 $0x6A00, s7  }
0xd: {  	s25 =	simm.s32 $0x5;
	s31 =	sadd.s32 $0xCE00, s7;
	[dreg:$0x6] =	wrdreg s26  }
0xe: {  	s10 =	sadd.s32 $0x600, s7;
	[dreg:$0x7] =	wrdreg s31;
	s26 =	simm.s32 $0xEB00  }
.LBB2_1:
0xf: {  	s0 =	rddreg [dreg:$0x6]  }
0x10: {  	[tilespmem:s6], [sflag:$0x7] =	stream.linear.gather [hbm4b:s0+s6], $0x1900, $0x38;
	[tilespmem:$0x10D00] =	vst v63  }
0x11: {  	_ =	swait.ge [sflag:s12], $0x1900  }
0x12: {  	[sflag:s12] =	ssyncset.done $0x0  }
0x13: {  	s2 =	simm.s32 $0x1900;
	s13 =	rddreg [dreg:$0x7];
	[sflag:s12] =	ssyncadd.s32 $0xFFFFE700  }
0x14: {  	[tilespmem:s2], [sflag:$0x7] =	stream.linear.gather [hbm4b:s13+s6], $0x1900, $0x38;
	[tilespmem:$0x10D00] =	vst v63  }
0x15: {  	_ =	swait.ge [sflag:s12], $0x1900  }
0x16: {  	[sflag:s12] =	ssyncset.done $0x0  }
0x17: {  	s14 =	simm.s32 $0x3200;
	[sflag:s12] =	ssyncadd.s32 $0xFFFFE700  }
0x18: {  	[tilespmem:s14], [sflag:$0x7] =	stream.linear.gather [hbm4b:s10+s6], $0x1900, $0x38;
	[tilespmem:$0x10D00] =	vst v63  }
0x19: {  	_ =	swait.ge [sflag:s12], $0x1900  }
0x1a: {  	[sflag:s12] =	ssyncset.done $0x0  }
0x1b: {  	s7 =	simm.s32 $0x10B00;
	s15 =	rddreg [dreg:$0x5];
	[sflag:s12] =	ssyncadd.s32 $0xFFFFE700  }
0x1c: {  	[tilespmem:s7], [sflag:$0x7] =	stream.linear.gather [hbm4b:s15+s6], $0x200, $0x38;
	[tilespmem:$0x10D00] =	vst v63  }
0x1d: {  	_ =	swait.ge [sflag:s12], $0x200  }
0x1e: {  	[sflag:s12] =	ssyncset.done $0x0  }
0x1f: {  	[sflag:s12] =	ssyncadd.s32 $0xFFFFFE00  }
0x20: {  	v3 =	vld [tilespmem:$0x10B30]  }
0x21: {  	v37 =	vld [tilespmem:$0x10CF0]  }
0x22: {  	v46 =	vld [tilespmem:$0x10B80]  }
0x23: {  	v8 =	vld [tilespmem:$0x10B90]  }
0x24: {  	v9 =	vld [tilespmem:$0x10BA0]  }
0x25: {  	v59 =	vld [tilespmem:$0x10CC0];
	[tilespmem:$0x1FE20] =	vst v3  }
0x26: {  	v13 =	vld [tilespmem:$0x10BB0];
	[tilespmem:$0x1FE70] =	vst v37  }
0x27: {  	v24 =	vld [tilespmem:$0x10C80];
	[tilespmem:$0x1FE80] =	vst v46  }
0x28: {  	v14 =	vld [tilespmem:$0x10BC0];
	[tilespmem:$0x1FE90] =	vst v8  }
0x29: {  	v25 =	vld [tilespmem:$0x10C90];
	[tilespmem:$0x1FEA0] =	vst v9  }
0x2a: {  	v3 =	vld [tilespmem:$0x10B40];
	[tilespmem:$0x1FEB0] =	vst v59  }
0x2b: {  	v16 =	vld [tilespmem:$0x10C10];
	[tilespmem:$0x1FEC0] =	vst v13  }
0x2c: {  	v15 =	vld [tilespmem:$0x10BD0];
	[tilespmem:$0x1FED0] =	vst v24  }
0x2d: {  	v26 =	vld [tilespmem:$0x10CA0];
	[tilespmem:$0x1FEE0] =	vst v14  }
0x2e: {  	v12 =	vld [tilespmem:$0x10C70];
	[tilespmem:$0x1FEF0] =	vst v25  }
0x2f: {  	[tilespmem:$0x1FE30] =	vst v3;
	v3 =	vld [tilespmem:$0x10B50]  }
0x30: {  	v17 =	vld [tilespmem:$0x10BE0];
	[tilespmem:$0x1FF00] =	vst v16  }
0x31: {  	v18 =	vld [tilespmem:$0x10CB0];
	[tilespmem:$0x1FF10] =	vst v15  }
0x32: {  	v29 =	vld [tilespmem:$0x10CD0];
	[tilespmem:$0x1FF20] =	vst v26  }
0x33: {  	v4 =	vld [tilespmem:$0x10C00];
	[tilespmem:$0x1FF30] =	vst v12  }
0x34: {  	[tilespmem:$0x1FE40] =	vst v3;
	v3 =	vld [tilespmem:$0x10B60]  }
0x35: {  	v5 =	vld [tilespmem:$0x10C20];
	[tilespmem:$0x1FF40] =	vst v17  }
0x36: {  	v6 =	vld [tilespmem:$0x10C30];
	[tilespmem:$0x1FF50] =	vst v18  }
0x37: {  	v10 =	vld [tilespmem:$0x10C40];
	[tilespmem:$0x1FF70] =	vst v29  }
0x38: {  	v20 =	vld [tilespmem:$0x10C50];
	[tilespmem:$0x1FF80] =	vst v4  }
0x39: {  	[tilespmem:$0x1FE50] =	vst v3;
	v3 =	vld [tilespmem:$0x10B70]  }
0x3a: {  	v19 =	vld [tilespmem:$0x10CE0];
	[tilespmem:$0x1FF90] =	vst v5  }
0x3b: {  	v11 =	vld [tilespmem:$0x10C60];
	[tilespmem:$0x1FFA0] =	vst v6  }
0x3c: {  	v2 =	vld [tilespmem:$0x10B20];
	[tilespmem:$0x1FFB0] =	vst v10  }
0x3d: {  	[tilespmem:$0x1FFC0] =	vst v20  }
0x3e: {  	[tilespmem:$0x1FE60] =	vst v3;
	v3 =	vld [tilespmem:$0x10BF0]  }
0x3f: {  	s17 =	simm.s32 $0x4B00;
	v0 =	vld [tilespmem:$0x10B00];
	[tilespmem:$0x1FFD0] =	vst v19  }
0x40: {  	[tilespmem:$0x1FFE0] =	vst v11;
	v1 =	vld [tilespmem:$0x10B10];
	[tilespmem:s17], [sflag:$0x1] =	stream.indirect.gather [hbm4b:s1+s16], $0x80, s6, s16, $0xb8  }
0x41: {  	s18 =	simm.s32 $0x6B00;
	[tilespmem:$0x1FFF0] =	vst v2  }
0x42: {  	[tilespmem:s18], [sflag:$0x2] =	stream.indirect.gather [hbm4b:s3+s16], $0x80, s2, s16, $0xb8;
	[tilespmem:$0x10D00] =	vst v63  }
0x43: {  	s31 =	simm.s32 $0x0;
	[tilespmem:$0x1FF60] =	vst v3  }
.LBB2_2:
0x44: {  	_ =	swait.ge [sflag:s19], $0x2000  }
0x45: {  	[sflag:s19] =	ssyncset.done $0x0  }
0x46: {  	[sflag:s19] =	ssyncadd.s32 $0xFFFFE000  }
0x47: {  	_ =	swait.ge [sflag:s20], $0x2000  }
0x48: {  	s0 =	sshll.u32 s31, $0x7;
	[sflag:s20] =	ssyncset.done $0x0  }
0x49: {  	s2 =	sor.u32 $0x40, s0;
	[sflag:s20] =	ssyncadd.s32 $0xFFFFE000  }
0x4a: {  	[tilespmem:s21], [sflag:$0x4] =	stream.indirect.gather [hbm4b:s1+s16], $0x80, s2, s16, $0xb8;
	[tilespmem:$0x10D00] =	vst v63  }
0x4b: {  	p0 =	seq.s32 s31, $0x0;
	s7 =	sadd.s32 $0x1940, s0  }
0x4c: {  	[tilespmem:s22], [sflag:$0x5] =	stream.indirect.gather [hbm4b:s3+s16], $0x80, s7, s16, $0xb8;
	[tilespmem:$0x10D00] =	vst v63  }
0x4d: {  	s7 =	simm.s32 @!p0 $0x3  }
0x4e: {  	_ =	swait.ge @!p0 [sflag:s7], $0x2000  }
0x4f: {  	v4 =	vld [tilespmem:$0x1FE20]  }
0x50: {  	s13 =	sadd.s32 $0x3200, s0;
	v6 =	vld [tilespmem:$0x1FE40]  }
0x51: {  	s18 =	simm.s32 $0xFFFFFFFC;
	s14 =	simm.s32 $0x8C00;
	v3 =	vmov s13;
	[sflag:s7] =	ssyncset.done @!p0 $0x0;
	v7 =	vld [tilespmem:$0x1FE50]  }
0x52: {  	s15 =	simm.s32 $0x6C00;
	s17 =	simm.s32 $0x4C00;
	[tilespmem:$0x1FE10] =	vst v3;
	v20 =	vld [tilespmem:$0x1FE60];
	[sflag:s7] =	ssyncadd.s32 @!p0 $0xFFFFE000  }
.LBB2_3:
0x53: {  	v3 =	vld [tilespmem:$0x1FE10]  }
0x54: {  	v32 =	vld [tilespmem:s17+$0xFFFFFF00]  }
0x55: {  	v33 =	vld [tilespmem:s15+$0xFFFFFF00]  }
0x56: {  	v34 =	vld [tilespmem:s17+$0xFFFFFF10]  }
0x57: {  	v35 =	vld [tilespmem:s15+$0xFFFFFF10]  }
0x58: {  	v36 =	vld [tilespmem:s17+$0xFFFFFF20]  }
0x59: {  	v37 =	vld [tilespmem:s15+$0xFFFFFF20]  }
0x5a: {  	v39 =	vld [tilespmem:s17+$0xFFFFFF30]  }
0x5b: {  	v40 =	vld [tilespmem:s15+$0xFFFFFF30]  }
0x5c: {  	v42 =	vld [tilespmem:s17+$0xFFFFFF40]  }
0x5d: {  	v43 =	vld [tilespmem:s15+$0xFFFFFF40]  }
0x5e: {  	v45 =	vld [tilespmem:s17+$0xFFFFFF50]  }
0x5f: {  	v47 =	vld [tilespmem:s15+$0xFFFFFF50]  }
0x60: {  	s13 =	sadd.s32 $0x4, s18;
	v21 =	vld [tilespmem:$0x1FF00]  }
0x61: {  	v48 =	vld [tilespmem:s17+$0xFFFFFF60];
	s7 =	sand.u32 $0x30, s13  }
0x62: {  	v57 =	vld.idx.msk [tilespmem:v3+s7+$0x0 ss:$0x1], $0xffff  }
0x63: {  	v28 =	vld [tilespmem:$0x1FF90]  }
0x64: {  	v49 =	vld [tilespmem:s15+$0xFFFFFF60]  }
0x65: {  	v50 =	vld [tilespmem:s17+$0xFFFFFF70];
	s8 =	sand.u32 $0xC, s13  }
0x66: {  	v60 =	vld [tilespmem:s15+$0xFFFFFF70];
	v38 =	vmov s8  }
0x67: {  	v5 =	vld [tilespmem:$0x1FE70];
	v32 =	vadd.f32 v33, v32;
	v38 =	vperm.xlane v57, v38  }
0x68: {  	v34 =	vadd.f32 v35, v34;
	v36 =	vadd.f32 v37, v36;
	v3 =	vld [tilespmem:$0x1FF80]  }
0x69: {  	v31 =	vld [tilespmem:$0x1FFA0];
	v39 =	vadd.f32 v40, v39;
	v62 =	vadd.f32 v43, v42;
	v41 =	vmul.f32 v38, v24  }
0x6a: {  	v47 =	vadd.f32 v47, v45;
	v44 =	vmul.f32 v38, v25;
	v54 =	vmul.f32 v38, v26  }
0x6b: {  	v49 =	vadd.f32 v49, v48;
	v56 =	vmul.f32 v38, v18;
	v59 =	vmul.f32 v38, v59  }
0x6c: {  	v33 =	vadd.f32 v60, v50;
	v61 =	vmul.f32 v38, v29;
	v63 =	vmul.f32 v38, v19  }
0x6d: {  	v27 =	vld [tilespmem:$0x1FFC0];
	v38 =	vmul.f32 v38, v5;
	v53 =	vadd.f32 v41, v3;
	v55 =	vadd.f32 v44, v21  }
0x6e: {  	v58 =	vadd.f32 v54, v28;
	v44 =	vadd.f32 v56, v31  }
0x6f: {  	v37 =	vadd.f32 v63, v11;
	v38 =	vadd.f32 v38, v12  }
0x70: {  	v46 =	vadd.f32 v32, v53;
	v40 =	vadd.f32 v34, v55  }
0x71: {  	v41 =	vadd.f32 v36, v58;
	v32 =	vadd.f32 v59, v10  }
0x72: {  	v36 =	vadd.f32 v39, v44;
	v34 =	vadd.f32 v61, v27  }
0x73: {  	v33 =	vadd.f32 v33, v38;
	v39 =	vadd.f32 v62, v32  }
0x74: {  	v35 =	vadd.f32 v47, v34;
	v34 =	vadd.f32 v49, v37  }
0x75: {  	v51 =	vadd.f32 v40, v46;
	v52 =	vadd.f32 v36, v41  }
0x76: {  	v8 =	vld [tilespmem:$0x1FEB0];
	v53 =	vadd.f32 v35, v39;
	v54 =	vadd.f32 v33, v34  }
0x77: {  	v42 =	vld [tilespmem:s15+$0xFFFFFF80];
	v56 =	vmul.f32 v46, v46  }
0x78: {  	v45 =	vld [tilespmem:s17+$0xFFFFFF90];
	v58 =	vmul.f32 v40, v40;
	v32 =	vadd.f32 v52, v51;
	v55 =	vadd.f32 v54, v53  }
0x79: {  	v43 =	vld [tilespmem:s15+$0xFFFFFFA0];
	v59 =	vmul.f32 v41, v41;
	v44 =	vmul.f32 v36, v36  }
0x7a: {  	v50 =	vld [tilespmem:s17+$0xFFFFFFB0];
	v60 =	vmul.f32 v39, v39;
	v61 =	vmul.f32 v35, v35;
	v32 =	vadd.f32 v55, v32  }
0x7b: {  	s9 =	sadd.s32 $0x5, s18;
	v48 =	vld [tilespmem:s15+$0xFFFFFFB0];
	v62 =	vmul.f32 v34, v34;
	v51 =	vmul.f32 v33, v33  }
0x7c: {  	s7 =	sand.u32 $0xD, s9;
	v49 =	vld [tilespmem:s15+$0xFFFFFF90];
	v37 =	vadd.f32 v58, v56;
	v63 =	vadd.f32 v44, v59;
	(xrf2) =	vadd.scan.msk.f32 $0xffff, v32  }
0x7d: {  	v47 =	vld [tilespmem:s17+$0xFFFFFFC0];
	v59 =	vmov s7;
	v56 =	vadd.f32 v61, v60;
	v58 =	vadd.f32 v51, v62  }
0x7e: {  	v52 =	vld [tilespmem:s17+$0xFFFFFFA0];
	v53 =	vperm.xlane v57, v59  }
0x7f: {  	v37 =	vadd.f32 v63, v37;
	v54 =	vld [tilespmem:s15+$0xFFFFFFC0];
	v60 =	vadd.f32 v58, v56  }
0x80: {  	v63 =	vmul.f32 v53, v25;
	v55 =	vld [tilespmem:s17+$0xFFFFFFD0]  }
0x81: {  	v32 =	vld [tilespmem:s17+$0xFFFFFF80];
	v37 =	vadd.f32 v60, v37;
	v60 =	vmul.f32 v53, v26  }
0x82: {  	v45 =	vadd.f32 v49, v45;
	v56 =	vld [tilespmem:s15+$0xFFFFFFD0];
	v38 =	vadd.f32 v63, v21  }
0x83: {  	v59 =	vld [tilespmem:s15+$0xFFFFFFE0];
	v43 =	vadd.f32 v43, v52;
	v44 =	vadd.f32 v60, v28  }
0x84: {  	v50 =	vadd.f32 v48, v50;
	v62 =	vmul.f32 v53, v24;
	v63 =	vld [tilespmem:s15+$0xFFFFFFF0];
	v51 =	vadd.f32 v45, v38  }
0x85: {  	v60 =	vld [tilespmem:s17+$0xFFFFFFF0];
	v48 =	vadd.f32 v43, v44;
	v43 =	vadd.f32 v54, v47;
	v54 =	vmul.f32 v53, v19  }
0x86: {  	v58 =	vld [tilespmem:s17+$0xFFFFFFE0];
	v32 =	vadd.f32 v42, v32;
	v42 =	vadd.f32 v62, v3;
	v62 =	vmul.f32 v53, v8;
	v61, _, _ =	vpop (xrf2)  }
0x87: {  	v47 =	vadd.f32 v56, v55;
	(v2sf) =	vpush v61, $0xF;
	v61 =	vmul.f32 v53, v18  }
0x88: {  	v52 =	vadd.f32 v32, v42;
	v32 =	vadd.f32 v62, v10  }
0x89: {  	v56 =	vmul.f32 v53, v5;
	v62 =	vadd.f32 v54, v11;
	v49 =	vadd.f32 v61, v31  }
0x8a: {  	(xrf2) =	vadd.scan.msk.f32 $0xffff, v37;
	v45 =	vmul.f32 v51, v51;
	v63 =	vadd.f32 v63, v60;
	v38 =	vadd.f32 v43, v32  }
0x8b: {  	v61 =	vadd.f32 v59, v58;
	v44 =	vadd.f32 v50, v49;
	v50 =	vmul.f32 v53, v29  }
0x8c: {  	v54 =	vmul.f32 v48, v48;
	v43 =	vadd.f32 v51, v52;
	v49 =	vadd.f32 v56, v12  }
0x8d: {  	v32 =	vld [tilespmem:s17+$0x0];
	v59 =	vmul.f32 v38, v38;
	v8 =	vadd.f32 v61, v62;
	v42 =	vadd.f32 v50, v27  }
0x8e: {  	v37 =	vadd.f32 v63, v49;
	v50 =	vld [tilespmem:s15+$0x0];
	v53 =	vadd.f32 v44, v48;
	v55 =	vmul.f32 v44, v44  }
0x8f: {  	v9 =	vld [tilespmem:s17+$0x20];
	v63 =	vmul.f32 v8, v8;
	v42 =	vadd.f32 v47, v42;
	v47 =	vmul.f32 v52, v52  }
0x90: {  	v13 =	vld [tilespmem:$0x1FEB0];
	[tilespmem:$0x1FE00] =	vst v8;
	v62 =	vadd.f32 v37, v8;
	v8 =	vmul.f32 v37, v37;
	v49 =	vadd.f32 v55, v54  }
0x91: {  	s8 =	sadd.s32 $0x6, s18;
	v54 =	vld [tilespmem:s15+$0x20];
	v43 =	vadd.f32 v53, v43;
	v58 =	vadd.f32 v42, v38;
	v60 =	vmul.f32 v42, v42  }
0x92: {  	s7 =	sand.u32 $0xE, s8;
	v56 =	vld [tilespmem:s17+$0x10];
	v47 =	vadd.f32 v45, v47;
	v8 =	vadd.f32 v8, v63  }
0x93: {  	v61 =	vld [tilespmem:s15+$0x10];
	v45 =	vmov s7;
	v32 =	vadd.f32 v50, v32;
	v55 =	vadd.f32 v60, v59  }
0x94: {  	v60 =	vld [tilespmem:s17+$0x30];
	v53 =	vadd.f32 v62, v58;
	v58 =	vperm.xlane v57, v45;
	v62, _, _ =	vpop (xrf2);
	v47 =	vadd.f32 v49, v47  }
0x95: {  	v22 =	vmov v11;
	v59 =	vld [tilespmem:s15+$0x30];
	(v2sf) =	vpush v62, $0xF;
	v8 =	vadd.f32 v8, v55  }
0x96: {  	v11 =	vld [tilespmem:s15+$0x60];
	v45 =	vmovc v10;
	v9 =	vadd.f32 v54, v9;
	v55 =	vmul.f32 v58, v24;
	v10 =	vadd.f32 v53, v43  }
0x97: {  	v63 =	vld [tilespmem:s17+$0x40];
	v43 =	vmul.f32 v58, v25;
	v50 =	vmul.f32 v58, v26;
	v8 =	vadd.f32 v8, v47  }
0x98: {  	v62 =	vld [tilespmem:s15+$0x40];
	v49 =	vadd.f32 v55, v3;
	v55 =	vadd.f32 v61, v56;
	v56 =	vmul.f32 v58, v18  }
0x99: {  	v53 =	vld [tilespmem:s15+$0x50];
	v43 =	vadd.f32 v43, v21;
	v50 =	vadd.f32 v50, v28  }
0x9a: {  	v47 =	vld [tilespmem:s17+$0x50];
	v59 =	vadd.f32 v59, v60;
	v60 =	vadd.f32 v56, v31  }
0x9b: {  	v61 =	vld [tilespmem:s17+$0x60];
	v56 =	vadd.f32 v32, v49;
	v55 =	vadd.f32 v55, v43  }
0x9c: {  	v23 =	vmovc v12;
	v12 =	vld [tilespmem:s17+$0x70];
	v32 =	vmul.f32 v58, v13;
	v54 =	vadd.f32 v9, v50;
	v9 =	vmul.f32 v58, v29  }
0x9d: {  	v43 =	vld [tilespmem:s15+$0x70];
	v50 =	vadd.f32 v62, v63;
	v62 =	vmul.f32 v58, v19;
	v49 =	vadd.f32 v59, v60  }
0x9e: {  	v63 =	vmul.f32 v58, v5;
	v32 =	vadd.f32 v32, v45;
	v9 =	vadd.f32 v9, v27  }
0x9f: {  	v60 =	vadd.f32 v62, v22;
	v47 =	vadd.f32 v53, v47  }
0xa0: {  	v11 =	vadd.f32 v11, v61;
	v61 =	vadd.f32 v63, v23  }
0xa1: {  	v53 =	vadd.f32 v50, v32;
	v32 =	vadd.f32 v49, v54  }
0xa2: {  	v58 =	vmul.f32 v54, v54;
	v12 =	vadd.f32 v43, v12;
	v50 =	vadd.f32 v47, v9  }
0xa3: {  	v59 =	vmul.f32 v49, v49;
	v47 =	vadd.f32 v11, v60;
	v9 =	vadd.f32 v55, v56  }
0xa4: {  	v11 =	vmul.f32 v56, v56;
	v43 =	vadd.f32 v12, v61;
	v12 =	vmul.f32 v55, v55  }
0xa5: {  	s9 =	spop (v2sf);
	v60 =	vadd.f32 v50, v53;
	v61 =	vmul.f32 v53, v53;
	v62 =	vmul.f32 v50, v50  }
0xa6: {  	s7 =	smul.f32 $7.812500000e-03, s9;
	(xrf2) =	vadd.scan.msk.f32 $0xffff, v10;
	v13 =	vmul.f32 v47, v47;
	v63 =	vadd.f32 v43, v47;
	v14 =	vmul.f32 v43, v43  }
0xa7: {  	v11 =	vadd.f32 v12, v11;
	v12 =	vadd.f32 v59, v58  }
0xa8: {  	s9 =	smul.f32 s7, s7;
	v62 =	vadd.f32 v62, v61;
	s8 =	spop (v2sf);
	v13 =	vadd.f32 v14, v13  }
0xa9: {  	v9 =	vadd.f32 v32, v9;
	s8 =	smul.f32 $7.812500000e-03, s8;
	v14 =	vadd.f32 v63, v60  }
0xaa: {  	v11 =	vadd.f32 v12, v11;
	v12 =	vadd.f32 v13, v62  }
0xab: {  	v9 =	vadd.f32 v14, v9;
	s8 =	ssub.f32 s8, s9  }
0xac: {  	v15 =	vld [tilespmem:s15+$0xC0];
	(xrf2) =	vadd.scan.msk.f32 $0xffff, v8;
	v8 =	vadd.f32 v12, v11  }
0xad: {  	v10 =	vld [tilespmem:s15+$0x80];
	(xrf2) =	vadd.scan.msk.f32 $0xffff, v9;
	v9 =	vmov s8  }
0xae: {  	v32 =	vld [tilespmem:s15+$0xA0];
	(xrf2) =	vadd.scan.msk.f32 $0xffff, v8;
	v8 =	vadd.f32 $9.999999960e-13, v9  }
0xaf: {  	s18 =	sadd.s32 $0x7, s18;
	v61 =	vld [tilespmem:s17+$0xB0]  }
0xb0: {  	v58, _, _ =	vpop (xrf2);
	v60 =	vmov s18;
	v9 =	vld [tilespmem:s17+$0x80];
	v8 =	vbroadcast v8, $0x0  }
0xb1: {  	(v2sf) =	vpush v58, $0xF;
	v58 =	vld [tilespmem:s15+$0xB0];
	v57 =	vperm.xlane v57, v60  }
0xb2: {  	v14 =	vld [tilespmem:s17+$0xA0];
	v13 =	vshra.s32 v8, $0x1  }
0xb3: {  	v16 =	vld [tilespmem:s17+$0xD0];
	v60 =	vmul.f32 v57, v24;
	v13 =	vsub.s32 $0x5F3759DF, v13  }
0xb4: {  	v11 =	vld [tilespmem:s17+$0x90];
	v59 =	vmul.f32 v13, v13  }
0xb5: {  	v12 =	vld [tilespmem:s15+$0x90];
	v9 =	vadd.f32 v10, v9;
	v10 =	vadd.f32 v60, v3  }
0xb6: {  	v58 =	vadd.f32 v58, v61;
	v61 =	vld [tilespmem:s17+$0xF0];
	v8 =	vmul.f32 $5.000000000e-01, v8  }
0xb7: {  	v62, _, _ =	vpop (xrf2);
	v14 =	vadd.f32 v32, v14;
	v60 =	vmul.f32 v57, v26;
	v32 =	vadd.f32 v9, v10;
	v9 =	vld [tilespmem:$0x1FEB0]  }
0xb8: {  	(v2sf) =	vpush v62, $0xF;
	v10 =	vld [tilespmem:s15+$0xF0];
	v8 =	vmul.f32 v59, v8;
	v59, _, _ =	vpop (xrf2)  }
0xb9: {  	v17 =	vld [tilespmem:s15+$0xD0];
	v60 =	vadd.f32 v60, v28;
	(v2sf) =	vpush v59, $0xF;
	v59, _, _ =	vpop (xrf2)  }
0xba: {  	v30 =	vmov v19;
	v62 =	vld [tilespmem:s17+$0xC0];
	(v2sf) =	vpush v59, $0xF;
	v59 =	vmul.f32 v57, v25  }
0xbb: {  	v11 =	vadd.f32 v12, v11;
	v60 =	vadd.f32 v14, v60;
	v14 =	vmul.f32 v57, v30  }
0xbc: {  	v8 =	vsub.f32 $1.500000000e+00, v8;
	v12 =	vadd.f32 v59, v21;
	v59 =	vmul.f32 v57, v18  }
0xbd: {  	v19 =	vld [tilespmem:s15+$0xE0];
	v14 =	vadd.f32 v14, v22;
	v9 =	vmul.f32 v57, v9;
	v10 =	vadd.f32 v10, v61  }
0xbe: {  	v18 =	vld [tilespmem:s17+$0xE0];
	v59 =	vadd.f32 v59, v31;
	v63 =	vadd.f32 v11, v12;
	v11 =	vmul.f32 v57, v29  }
0xbf: {  	v12 =	vadd.f32 v15, v62;
	v15 =	vadd.f32 v17, v16;
	v16 =	vmul.f32 v57, v5  }
0xc0: {  	v9 =	vadd.f32 v9, v45;
	v59 =	vadd.f32 v58, v59  }
0xc1: {  	v11 =	vadd.f32 v11, v27;
	v16 =	vadd.f32 v16, v23  }
0xc2: {  	v62 =	vadd.f32 v12, v9;
	v9 =	vadd.f32 v63, v32  }
0xc3: {  	v8 =	vmul.f32 v13, v8;
	v17 =	vadd.f32 v19, v18;
	v61 =	vadd.f32 v15, v11  }
0xc4: {  	v57 =	vadd.f32 v10, v16;
	v10 =	vmul.f32 v32, v32;
	v11 =	vmul.f32 v63, v63  }
0xc5: {  	v15 =	vmul.f32 v59, v59;
	v58 =	vadd.f32 v17, v14;
	v14 =	vmul.f32 v60, v60  }
0xc6: {  	v12 =	vadd.f32 v59, v60;
	v17 =	vmul.f32 v62, v62;
	v16 =	vadd.f32 v61, v62  }
0xc7: {  	v18 =	vmul.f32 v61, v61;
	v13 =	vadd.f32 v15, v14;
	v14 =	vadd.f32 v57, v58  }
0xc8: {  	s9 =	spop (v2sf);
	v10 =	vadd.f32 v11, v10;
	v19 =	vmul.f32 v57, v57;
	v11 =	vmul.f32 v58, v58  }
0xc9: {  	s8 =	smul.f32 $7.812500000e-03, s9;
	s18 =	spop (v2sf);
	v9 =	vadd.f32 v12, v9;
	v12 =	vadd.f32 v14, v16;
	v14 =	vmul.f32 v8, v0  }
0xca: {  	s9 =	smul.f32 $7.812500000e-03, s18;
	v5 =	vld [tilespmem:$0x1FE30];
	v15 =	vadd.f32 v18, v17;
	v11 =	vadd.f32 v19, v11  }
0xcb: {  	s18 =	smul.f32 s8, s8;
	v9 =	vadd.f32 v12, v9;
	v12 =	vmul.f32 v14, v46;
	v46 =	vld [tilespmem:$0x1FE80]  }
0xcc: {  	v17 =	vmul.f32 s7, v8;
	v10 =	vadd.f32 v13, v10;
	v11 =	vadd.f32 v11, v15  }
0xcd: {  	s9 =	ssub.f32 s9, s18  }
0xce: {  	v31 =	vld [tilespmem:$0x1FE90];
	v13 =	vmul.f32 v17, v0;
	v10 =	vadd.f32 v11, v10  }
0xcf: {  	v19 =	vmul.f32 v8, v5;
	v16 =	vmul.f32 v17, v4;
	v14 =	vmov s9;
	(xrf2) =	vadd.scan.msk.f32 $0xffff, v9  }
0xd0: {  	v28 =	vld [tilespmem:$0x1FEA0];
	v15 =	vmul.f32 v8, v2;
	v14 =	vadd.f32 $9.999999960e-13, v14;
	(xrf2) =	vadd.scan.msk.f32 $0xffff, v10;
	v11 =	vsub.f32 v46, v13  }
0xd1: {  	v24 =	vld [tilespmem:$0x1FEC0];
	v9 =	vmul.f32 v17, v1;
	v13 =	vmul.f32 v8, v1  }
0xd2: {  	v25 =	vld [tilespmem:$0x1FEE0];
	v19 =	vmul.f32 v19, v39;
	v10 =	vadd.f32 v11, v12;
	v12 =	vbroadcast v14, $0x0  }
0xd3: {  	v9 =	vsub.f32 v31, v9;
	v11 =	vmul.f32 v13, v40;
	v14 =	vmul.f32 v17, v2  }
0xd4: {  	v13 =	vmul.f32 v15, v41;
	v15 =	vmul.f32 v8, v4;
	v18 =	vshra.s32 v12, $0x1  }
0xd5: {  	v40 =	vmul.f32 v17, v5;
	v14 =	vsub.f32 v28, v14;
	v18 =	vsub.s32 $0x5F3759DF, v18  }
0xd6: {  	s18 =	spop (v2sf);
	v9 =	vadd.f32 v9, v11;
	v11 =	vmul.f32 $5.000000000e-01, v12;
	v12 =	vmul.f32 v18, v18  }
0xd7: {  	v26 =	vld [tilespmem:$0x1FF10];
	s18 =	smul.f32 $7.812500000e-03, s18;
	s9 =	spop (v2sf);
	v16 =	vsub.f32 v24, v16;
	v15 =	vmul.f32 v15, v36;
	v40 =	vsub.f32 v25, v40  }
0xd8: {  	s7 =	smul.f32 $7.812500000e-03, s9;
	v11 =	vmul.f32 v12, v11;
	v12 =	vadd.f32 v14, v13  }
0xd9: {  	s9 =	smul.f32 s18, s18;
	v41 =	vmul.f32 v8, v7;
	v13 =	vadd.f32 v16, v15;
	v14, _, _ =	vpop (xrf2);
	v15 =	vadd.f32 v40, v19  }
0xda: {  	v27 =	vld [tilespmem:$0x1FF40];
	v16 =	vmul.f32 v8, v6;
	v19 =	vmul.f32 v17, v6;
	(v2sf) =	vpush v14, $0xF;
	v14, _, _ =	vpop (xrf2)  }
0xdb: {  	v3 =	vld [tilespmem:$0x1FF60];
	s7 =	ssub.f32 s7, s9;
	v8 =	vmul.f32 v8, v20;
	v11 =	vsub.f32 $1.500000000e+00, v11;
	(v2sf) =	vpush v14, $0xF  }
0xdc: {  	v14 =	vmul.f32 v16, v35;
	v16 =	vsub.f32 v26, v19;
	v19 =	vmul.f32 v41, v34  }
0xdd: {  	v41 =	vmov s7;
	v11 =	vmul.f32 v18, v11;
	v18 =	vmul.f32 v17, v7  }
0xde: {  	v36 =	vadd.f32 $9.999999960e-13, v41;
	v14 =	vadd.f32 v16, v14;
	v16 =	vmul.f32 v17, v20  }
0xdf: {  	v8 =	vmul.f32 v8, v33;
	v18 =	vsub.f32 v27, v18;
	v34 =	vmul.f32 s8, v11  }
0xe0: {  	v36 =	vbroadcast v36, $0x0;
	v33 =	vmul.f32 v11, v1;
	v16 =	vsub.f32 v3, v16  }
0xe1: {  	v17 =	vadd.f32 v18, v19;
	v18 =	vmul.f32 v11, v0;
	v19 =	vmul.f32 v34, v0  }
0xe2: {  	v40 =	vmul.f32 v34, v1;
	v33 =	vmul.f32 v33, v51;
	v8 =	vadd.f32 v16, v8  }
0xe3: {  	v16 =	vmul.f32 v11, v2;
	v51 =	vshra.s32 v36, $0x1;
	v36 =	vmul.f32 $5.000000000e-01, v36  }
0xe4: {  	v18 =	vmul.f32 v18, v52;
	v19 =	vsub.f32 v46, v19;
	v35 =	vsub.f32 v31, v40  }
0xe5: {  	v16 =	vmul.f32 v16, v48;
	v52 =	vmul.f32 v11, v4  }
0xe6: {  	v48 =	vmul.f32 v34, v4;
	v18 =	vadd.f32 v19, v18;
	v19 =	vadd.f32 v35, v33  }
0xe7: {  	v33 =	vmul.f32 v34, v2;
	v35 =	vsub.s32 $0x5F3759DF, v51;
	v39 =	vmul.f32 v52, v44  }
0xe8: {  	v40 =	vsub.f32 v24, v48;
	v44 =	vmul.f32 v11, v5;
	v48 =	vmul.f32 v11, v6  }
0xe9: {  	v21 =	vmovc v29;
	v29 =	vld [tilespmem:$0x1FE00];
	v52 =	vmul.f32 v34, v5;
	v51 =	vmul.f32 v35, v35;
	v33 =	vsub.f32 v28, v33  }
0xea: {  	v39 =	vadd.f32 v40, v39;
	v44 =	vmul.f32 v44, v38;
	v40 =	vmul.f32 v48, v42;
	s8 =	spop (v2sf)  }
0xeb: {  	v36 =	vmul.f32 v51, v36;
	v51 =	vmul.f32 v34, v6;
	s7 =	smul.f32 $7.812500000e-03, s8;
	s9 =	spop (v2sf)  }
0xec: {  	v16 =	vadd.f32 v33, v16;
	v33 =	vsub.f32 v25, v52;
	v52 =	vmul.f32 v11, v7;
	s8 =	smul.f32 $7.812500000e-03, s9  }
0xed: {  	v11 =	vmul.f32 v11, v20;
	v36 =	vsub.f32 $1.500000000e+00, v36;
	v41 =	vsub.f32 v26, v51;
	s9 =	smul.f32 s7, s7  }
0xee: {  	v33 =	vadd.f32 v33, v44;
	v44 =	vmul.f32 v34, v7;
	v48 =	vmul.f32 v52, v29  }
0xef: {  	v34 =	vmul.f32 v34, v20;
	v35 =	vmul.f32 v35, v36;
	s8 =	ssub.f32 s8, s9  }
0xf0: {  	v11 =	vmul.f32 v11, v37;
	v40 =	vadd.f32 v41, v40;
	v36 =	vsub.f32 v27, v44  }
0xf1: {  	[tilespmem:s14+$0xFFFFFF80] =	vst v18;
	v51 =	vmul.f32 v35, v0;
	v37 =	vmul.f32 s18, v35;
	v52 =	vmov s8  }
0xf2: {  	[tilespmem:s14+$0xFFFFFF90] =	vst v19;
	v18 =	vmul.f32 v35, v6;
	v19 =	vmul.f32 v35, v7;
	v42 =	vadd.f32 $9.999999960e-13, v52  }
0xf3: {  	[tilespmem:s14+$0xFFFFFF00] =	vst v10;
	v34 =	vsub.f32 v3, v34;
	v41 =	vmul.f32 v51, v56;
	v51 =	vmul.f32 v35, v1  }
0xf4: {  	[tilespmem:s14+$0xFFFFFF10] =	vst v9;
	v36 =	vadd.f32 v36, v48;
	v48 =	vmul.f32 v37, v0;
	v52 =	vbroadcast v42, $0x0  }
0xf5: {  	[tilespmem:s14+$0xFFFFFF20] =	vst v12;
	v10 =	vadd.f32 v34, v11;
	v38 =	vmul.f32 v51, v55;
	v55 =	vmul.f32 v35, v2  }
0xf6: {  	[tilespmem:s14+$0xFFFFFF30] =	vst v13;
	v11 =	vmul.f32 v37, v1;
	v12 =	vmul.f32 v37, v2;
	v56 =	vshra.s32 v52, $0x1  }
0xf7: {  	[tilespmem:s14+$0xFFFFFF50] =	vst v14;
	v14 =	vmul.f32 v37, v4;
	v13 =	vmul.f32 v55, v54;
	v44 =	vsub.s32 $0x5F3759DF, v56  }
0xf8: {  	[tilespmem:s14+$0xFFFFFF40] =	vst v15;
	v12 =	vsub.f32 v28, v12;
	v15 =	vmul.f32 $5.000000000e-01, v52;
	v51 =	vmul.f32 v44, v44  }
0xf9: {  	[tilespmem:s14+$0xFFFFFF60] =	vst v17;
	v17 =	vmul.f32 v37, v5;
	v9 =	vsub.f32 v46, v48;
	v48 =	vmul.f32 v35, v4  }
0xfa: {  	[tilespmem:s14+$0xFFFFFFA0] =	vst v16;
	v16 =	vmul.f32 v18, v50;
	v12 =	vadd.f32 v12, v13;
	v13 =	vmul.f32 v51, v15  }
0xfb: {  	[tilespmem:s14+$0xFFFFFF70] =	vst v8;
	v18 =	vmul.f32 v19, v47;
	v14 =	vsub.f32 v24, v14;
	v8 =	vmul.f32 v48, v49  }
0xfc: {  	v11 =	vsub.f32 v31, v11;
	v52 =	vmul.f32 v35, v5;
	v13 =	vsub.f32 $1.500000000e+00, v13  }
0xfd: {  	v17 =	vsub.f32 v25, v17;
	v8 =	vadd.f32 v14, v8;
	v14 =	vmul.f32 v37, v6  }
0xfe: {  	v9 =	vadd.f32 v9, v41;
	v15 =	vmul.f32 v52, v53;
	v13 =	vmul.f32 v44, v13  }
0xff: {  	[tilespmem:s14+$0xFFFFFFB0] =	vst v39;
	v19 =	vmul.f32 v35, v20;
	v11 =	vadd.f32 v11, v38;
	v14 =	vsub.f32 v26, v14  }
0x100: {  	[tilespmem:s14+$0xFFFFFFC0] =	vst v33;
	v15 =	vadd.f32 v17, v15;
	v17 =	vmul.f32 v37, v7;
	v53 =	vmul.f32 s7, v13  }
0x101: {  	[tilespmem:s14+$0xFFFFFFD0] =	vst v40;
	v14 =	vadd.f32 v14, v16;
	v16 =	vmul.f32 v19, v43;
	v19 =	vmul.f32 v37, v20  }
0x102: {  	[tilespmem:s14+$0xFFFFFFE0] =	vst v36;
	v17 =	vsub.f32 v27, v17;
	v54 =	vmul.f32 v13, v0;
	v55 =	vmul.f32 v53, v0  }
0x103: {  	[tilespmem:s14+$0xFFFFFFF0] =	vst v10;
	v10 =	vsub.f32 v3, v19;
	v19 =	vmul.f32 v13, v1;
	v56 =	vmul.f32 v53, v1  }
0x104: {  	[tilespmem:s14+$0x0] =	vst v9;
	v9 =	vadd.f32 v17, v18;
	v17 =	vmul.f32 v54, v32;
	v18 =	vsub.f32 v46, v55  }
0x105: {  	[tilespmem:s14+$0x10] =	vst v11;
	v10 =	vadd.f32 v10, v16;
	v11 =	vmul.f32 v19, v63;
	v16 =	vsub.f32 v31, v56  }
0x106: {  	[tilespmem:s14+$0x20] =	vst v12;
	v12 =	vadd.f32 v18, v17;
	v17 =	vmul.f32 v13, v2;
	v18 =	vmul.f32 v53, v2  }
0x107: {  	[tilespmem:s14+$0x30] =	vst v8;
	v8 =	vadd.f32 v16, v11;
	v11 =	vmul.f32 v13, v4;
	v16 =	vmul.f32 v53, v4  }
0x108: {  	[tilespmem:s14+$0x40] =	vst v15;
	v15 =	vmul.f32 v17, v60;
	v17 =	vsub.f32 v28, v18;
	v18 =	vmul.f32 v13, v5  }
0x109: {  	[tilespmem:s14+$0x50] =	vst v14;
	v11 =	vmul.f32 v11, v59;
	v14 =	vsub.f32 v24, v16;
	v16 =	vmul.f32 v13, v6  }
0x10a: {  	[tilespmem:s14+$0x60] =	vst v9;
	v9 =	vadd.f32 v17, v15;
	v15 =	vmul.f32 v18, v62;
	v17 =	vmul.f32 v53, v5  }
0x10b: {  	[tilespmem:s14+$0x70] =	vst v10;
	v10 =	vadd.f32 v14, v11;
	v11 =	vmul.f32 v16, v61;
	v14 =	vmul.f32 v53, v6  }
0x10c: {  	[tilespmem:s14+$0x80] =	vst v12;
	v16 =	vmul.f32 v13, v7;
	v12 =	vsub.f32 v25, v17;
	v17 =	vmul.f32 v53, v7  }
0x10d: {  	[tilespmem:s14+$0x90] =	vst v8;
	v13 =	vmul.f32 v13, v20;
	v8 =	vsub.f32 v26, v14;
	v14 =	vmul.f32 v53, v20  }
0x10e: {  	p0 =	slt.u32 s13, $0x3C;
	[tilespmem:s14+$0xA0] =	vst v9;
	v9 =	vadd.f32 v12, v15;
	v12 =	vmul.f32 v16, v58;
	v15 =	vsub.f32 v27, v17  }
.Ltmp0:
0x10f: {  	v59 =	vld [tilespmem:$0x1FEB0];
	[tilespmem:s14+$0xB0] =	vst v10;
	v10 =	vmul.f32 v13, v57;
	v8 =	vadd.f32 v8, v11;
	v11 =	vsub.f32 v3, v14;
	(pc) =	sbr.rel @p0 .LBB2_3-.Ltmp0, $4  }
0x110: {  	v24 =	vld [tilespmem:$0x1FED0];
	[tilespmem:s14+$0xC0] =	vst v9;
	v9 =	vadd.f32 v15, v12  }
0x111: {  	v18 =	vld [tilespmem:$0x1FF50];
	[tilespmem:s14+$0xD0] =	vst v8;
	v8 =	vadd.f32 v11, v10  }
0x112: {  	s15 =	sadd.s32 $0x200, s15;
	v25 =	vld [tilespmem:$0x1FEF0];
	[tilespmem:s14+$0xE0] =	vst v9  }
0x113: {  	s17 =	sadd.s32 $0x200, s17;
	v29 =	vmovc v21;
	s18 =	smov.u32 s13;
	v19 =	vmovc v30;
	v26 =	vld [tilespmem:$0x1FF20];
	v10 =	vmov v45;
	v12 =	vmov v23;
	v11 =	vmov v22;
	[tilespmem:s14+$0xF0] =	vst v8;
	s14 =	sadd.s32 $0x200, s14  }
0x114: {  	s7 =	sadd.s32 s5, s0  }
0x115: {  	s7 =	sshll.u32 s7, $0x4  }
0x116: {  	s7 =	sadd.s32 s4, s7  }
0x117: {  	[hbm4b:s7+s6] =	stream.linear.scatter [tilespmem:s23], [sflag:$0x3], $0x2000, $0x38;
	[tilespmem:$0x10D00] =	vst v63  }
0x118: {  	_ =	swait.ge [sflag:s24], $0x2000  }
0x119: {  	[sflag:s24] =	ssyncset.done $0x0  }
0x11a: {  	[sflag:s24] =	ssyncadd.s32 $0xFFFFE000  }
0x11b: {  	p0 =	seq.s32 s31, $0x31;
	_ =	swait.ge [sflag:s25], $0x2000  }
0x11c: {  	s8 =	simm.s32 @!p0 $0x40;
	[sflag:s25] =	ssyncset.done $0x0  }
0x11d: {  	s9 =	simm.s32 @!p0 $0x4B00;
	s7 =	sadd.s32 @!p0 $0x80, s0;
	[sflag:s25] =	ssyncadd.s32 $0xFFFFE000  }
0x11e: {  	[tilespmem:s9], [sflag:$0x1] =	stream.indirect.gather @!p0 [hbm4b:s1+s8], $0x80, s7, s8, $0xb8;
	[tilespmem:$0x10D00] =	vst v63  }
0x11f: {  	p1 =	seq.s32 @!p0 s31, $0x0;
	s0 =	sadd.s32 @!p0 $0x1980, s0;
	s7 =	simm.s32 @!p0 $0x6B00  }
0x120: {  	[tilespmem:s7], [sflag:$0x2] =	stream.indirect.gather @!p0 [hbm4b:s3+s8], $0x80, s0, s8, $0xb8;
	[tilespmem:$0x10D00] =	vst v63  }
0x121: {  	p0 =	por p0, !p1  }
0x122: {  	s18 =	sadd.s32 $0x3200, s2;
	v5 =	vld [tilespmem:$0x1FE30];
	_ =	swait.ge @p0 [sflag:s29], $0x2000  }
0x123: {  	s13 =	simm.s32 $0xFFFFFFFC;
	s14 =	simm.s32 $0xCC00;
	v19 =	vmov s18;
	[sflag:s29] =	ssyncset.done @p0 $0x0  }
0x124: {  	v3 =	vmov v20;
	s15 =	simm.s32 $0xAC00;
	s0 =	simm.s32 $0xEC00;
	[tilespmem:$0x1FDF0] =	vst v19;
	v37 =	vld [tilespmem:$0x1FE70];
	[sflag:s29] =	ssyncadd.s32 @p0 $0xFFFFE000  }
.LBB2_5:
0x125: {  	v2 =	vld [tilespmem:$0x1FDF0]  }
0x126: {  	v8 =	vld [tilespmem:s15+$0xFFFFFF00]  }
0x127: {  	v9 =	vld [tilespmem:s14+$0xFFFFFF00]  }
0x128: {  	v10 =	vld [tilespmem:s15+$0xFFFFFF10]  }
0x129: {  	v11 =	vld [tilespmem:s14+$0xFFFFFF10]  }
0x12a: {  	v12 =	vld [tilespmem:s15+$0xFFFFFF20]  }
0x12b: {  	v13 =	vld [tilespmem:s14+$0xFFFFFF20]  }
0x12c: {  	v15 =	vld [tilespmem:s15+$0xFFFFFF30]  }
0x12d: {  	v16 =	vld [tilespmem:s14+$0xFFFFFF30]  }
0x12e: {  	v17 =	vld [tilespmem:s15+$0xFFFFFF40]  }
0x12f: {  	v23 =	vld [tilespmem:$0x1FED0]  }
0x130: {  	v19 =	vld [tilespmem:s14+$0xFFFFFF40]  }
0x131: {  	v21 =	vld [tilespmem:$0x1FEF0]  }
0x132: {  	v33 =	vld [tilespmem:s15+$0xFFFFFF50]  }
0x133: {  	v29 =	vld [tilespmem:$0x1FF80]  }
0x134: {  	v25 =	vld [tilespmem:$0x1FF20]  }
0x135: {  	v34 =	vld [tilespmem:s14+$0xFFFFFF50]  }
0x136: {  	v20 =	vld [tilespmem:$0x1FF00]  }
0x137: {  	v26 =	vld [tilespmem:$0x1FF50]  }
0x138: {  	s17 =	sadd.s32 $0x4, s13;
	v35 =	vld [tilespmem:s15+$0xFFFFFF60]  }
0x139: {  	v31 =	vld [tilespmem:$0x1FF90];
	s7 =	sand.u32 $0x30, s17  }
0x13a: {  	v57 =	vld.idx.msk [tilespmem:v2+s7+$0x0 ss:$0x1], $0xffff  }
0x13b: {  	v53 =	vld [tilespmem:s14+$0xFFFFFF60]  }
0x13c: {  	v55 =	vld [tilespmem:s15+$0xFFFFFF70]  }
0x13d: {  	v56 =	vld [tilespmem:s14+$0xFFFFFF70];
	s9 =	sand.u32 $0xC, s17  }
0x13e: {  	v60 =	vld [tilespmem:$0x1FFA0];
	v14 =	vmov s9;
	v8 =	vadd.f32 v9, v8  }
0x13f: {  	v27 =	vld [tilespmem:$0x1FF70];
	v10 =	vadd.f32 v11, v10;
	v12 =	vadd.f32 v13, v12;
	v14 =	vperm.xlane v57, v14  }
0x140: {  	v22 =	vmov v1;
	v1 =	vld [tilespmem:$0x1FFD0];
	v15 =	vadd.f32 v16, v15;
	v61 =	vadd.f32 v19, v17  }
0x141: {  	v28 =	vld [tilespmem:$0x1FFB0];
	v63 =	vadd.f32 v34, v33;
	v18 =	vmul.f32 v14, v23;
	v32 =	vmul.f32 v14, v21  }
0x142: {  	v30 =	vmovc v0;
	v0 =	vld [tilespmem:$0x1FFC0];
	v9 =	vadd.f32 v56, v55;
	v49 =	vmul.f32 v14, v25;
	v51 =	vmul.f32 v14, v26  }
0x143: {  	v2 =	vld [tilespmem:$0x1FFE0];
	v48 =	vadd.f32 v18, v29;
	v50 =	vadd.f32 v32, v20  }
0x144: {  	v24 =	vld [tilespmem:$0x1FF30];
	v58 =	vmul.f32 v14, v27;
	v52 =	vadd.f32 v49, v31;
	v54 =	vadd.f32 v51, v60  }
0x145: {  	v62 =	vmul.f32 v14, v1;
	v18 =	vadd.f32 v53, v35;
	v46 =	vadd.f32 v8, v48  }
0x146: {  	v40 =	vadd.f32 v10, v50;
	v8 =	vmul.f32 v14, v59;
	v41 =	vadd.f32 v12, v52  }
0x147: {  	s18 =	sadd.s32 $0x5, s13;
	v36 =	vadd.f32 v15, v54;
	v10 =	vadd.f32 v58, v0;
	v14 =	vmul.f32 v14, v37  }
0x148: {  	v43 =	vld [tilespmem:s14+$0xFFFFFF80];
	s7 =	sand.u32 $0xD, s18;
	v12 =	vadd.f32 v62, v2;
	v8 =	vadd.f32 v8, v28  }
0x149: {  	v17 =	vld [tilespmem:s14+$0xFFFFFF90];
	v47 =	vmov s7;
	v14 =	vadd.f32 v14, v24;
	v35 =	vadd.f32 v63, v10  }
0x14a: {  	v49 =	vld [tilespmem:s14+$0xFFFFFFB0];
	v34 =	vadd.f32 v18, v12;
	v19 =	vadd.f32 v36, v41;
	v38 =	vmul.f32 v46, v46  }
0x14b: {  	v48 =	vld [tilespmem:s15+$0xFFFFFFB0];
	v42 =	vmul.f32 v40, v40;
	v39 =	vadd.f32 v61, v8;
	v33 =	vadd.f32 v9, v14  }
0x14c: {  	v13 =	vld [tilespmem:s15+$0xFFFFFFC0];
	v52 =	vmul.f32 v41, v41;
	v53 =	vmul.f32 v36, v36;
	v8 =	vadd.f32 v40, v46  }
0x14d: {  	v16 =	vperm.xlane v57, v47;
	v15 =	vld [tilespmem:s15+$0xFFFFFFD0];
	v10 =	vadd.f32 v35, v39;
	v32 =	vadd.f32 v33, v34  }
0x14e: {  	v63 =	vld [tilespmem:s14+$0xFFFFFFA0];
	v55 =	vmul.f32 v35, v35;
	v9 =	vadd.f32 v42, v38;
	v62 =	vadd.f32 v53, v52  }
0x14f: {  	v14 =	vld [tilespmem:s15+$0xFFFFFF90];
	v56 =	vmul.f32 v34, v34;
	v8 =	vadd.f32 v19, v8;
	v37 =	vadd.f32 v32, v10  }
0x150: {  	v61 =	vld [tilespmem:s15+$0xFFFFFFA0];
	v52 =	vmul.f32 v16, v23;
	v18 =	vadd.f32 v49, v48;
	v49 =	vmul.f32 v16, v27  }
0x151: {  	v38 =	vld [tilespmem:s14+$0xFFFFFFC0];
	v54 =	vmul.f32 v39, v39;
	v58 =	vmul.f32 v33, v33;
	v8 =	vadd.f32 v37, v8  }
0x152: {  	v53 =	vmul.f32 v16, v21;
	v42 =	vld [tilespmem:s14+$0xFFFFFFD0];
	v9 =	vadd.f32 v62, v9;
	v11 =	vadd.f32 v49, v0  }
0x153: {  	v44 =	vadd.f32 v55, v54;
	v45 =	vadd.f32 v58, v56;
	(xrf2) =	vadd.scan.msk.f32 $0xffff, v8;
	v8 =	vld [tilespmem:s15+$0xFFFFFF80]  }
0x154: {  	v62 =	vld [tilespmem:s15+$0xFFFFFFF0];
	v54 =	vadd.f32 v52, v29;
	v55 =	vmul.f32 v16, v25;
	v10 =	vadd.f32 v53, v20  }
0x155: {  	v56 =	vmul.f32 v16, v26;
	v12 =	vadd.f32 v63, v61;
	v63 =	vld [tilespmem:s14+$0xFFFFFFF0];
	v50 =	vadd.f32 v45, v44  }
0x156: {  	v14 =	vadd.f32 v17, v14;
	v58 =	vadd.f32 v55, v31;
	v55 =	vld [tilespmem:$0x1FE70]  }
0x157: {  	v61 =	vld [tilespmem:s14+$0xFFFFFFE0];
	v17 =	vadd.f32 v56, v60;
	v9 =	vadd.f32 v50, v9  }
0x158: {  	v48 =	vadd.f32 v12, v58;
	v8 =	vadd.f32 v43, v8;
	v43 =	vld [tilespmem:s15+$0xFFFFFFE0]  }
0x159: {  	v53 =	vmul.f32 v16, v1;
	v44 =	vadd.f32 v18, v17;
	v50 =	vadd.f32 v38, v13  }
0x15a: {  	v52 =	vadd.f32 v8, v54;
	v8 =	vmul.f32 v16, v59;
	v54 =	vadd.f32 v42, v15  }
0x15b: {  	v32 =	vld [tilespmem:s14+$0x10];
	v13 =	vadd.f32 v53, v2;
	v58 =	vadd.f32 v63, v62;
	v15 =	vmul.f32 v16, v55  }
0x15c: {  	v16 =	vld [tilespmem:s15+$0x10];
	v8 =	vadd.f32 v8, v28;
	v42 =	vadd.f32 v54, v11  }
0x15d: {  	v51, _, _ =	vpop (xrf2);
	v56 =	vadd.f32 v61, v43;
	v61 =	vadd.f32 v15, v24  }
0x15e: {  	(xrf2) =	vadd.scan.msk.f32 $0xffff, v9;
	v53 =	vmul.f32 v48, v48;
	(v2sf) =	vpush v51, $0xF;
	v51 =	vadd.f32 v14, v10  }
0x15f: {  	v62 =	vmul.f32 v52, v52;
	v45 =	vadd.f32 v50, v8;
	v38 =	vadd.f32 v56, v13  }
0x160: {  	v12 =	vld [tilespmem:s14+$0x0];
	v54 =	vmul.f32 v44, v44;
	v37 =	vadd.f32 v58, v61;
	v13 =	vadd.f32 v44, v48  }
0x161: {  	v8 =	vld [tilespmem:s15+$0x0];
	v58 =	vmul.f32 v42, v42;
	v16 =	vadd.f32 v32, v16;
	v9 =	vadd.f32 v51, v52  }
0x162: {  	v50 =	vld [tilespmem:s15+$0x20];
	v63 =	vmul.f32 v51, v51;
	v55 =	vadd.f32 v42, v45;
	v56 =	vmul.f32 v45, v45  }
0x163: {  	v14 =	vld [tilespmem:s14+$0x20];
	v61 =	vadd.f32 v37, v38;
	v47 =	vmul.f32 v38, v38;
	v49 =	vmul.f32 v37, v37  }
0x164: {  	s8 =	sadd.s32 $0x6, s13;
	v19 =	vld [tilespmem:s14+$0x30];
	v10 =	vadd.f32 v63, v62;
	v62 =	vadd.f32 v54, v53  }
0x165: {  	s7 =	sand.u32 $0xE, s8;
	v15 =	vld [tilespmem:s15+$0x40];
	v63 =	vadd.f32 v58, v56;
	v53 =	vadd.f32 v49, v47  }
0x166: {  	v54 =	vmov s7;
	v9 =	vadd.f32 v13, v9;
	v13 =	vld [tilespmem:s15+$0x50];
	v55 =	vadd.f32 v61, v55  }
0x167: {  	v17 =	vperm.xlane v57, v54;
	v8 =	vadd.f32 v12, v8;
	v58 =	vadd.f32 v53, v63;
	v53 =	vld [tilespmem:s14+$0x50]  }
0x168: {  	v47 =	vld [tilespmem:s15+$0x30];
	v14 =	vadd.f32 v14, v50;
	v56, _, _ =	vpop (xrf2);
	v10 =	vadd.f32 v62, v10  }
0x169: {  	v43 =	vld [tilespmem:s14+$0x40];
	(v2sf) =	vpush v56, $0xF;
	v61 =	vmul.f32 v17, v23;
	v62 =	vmul.f32 v17, v21  }
0x16a: {  	v9 =	vadd.f32 v55, v9;
	v49 =	vmul.f32 v17, v25;
	v10 =	vadd.f32 v58, v10;
	v58 =	vld [tilespmem:s15+$0x60]  }
0x16b: {  	v55 =	vmul.f32 v17, v26;
	v63 =	vadd.f32 v61, v29;
	v11 =	vadd.f32 v62, v20;
	v61 =	vld [tilespmem:s14+$0x60]  }
0x16c: {  	v18 =	vadd.f32 v49, v31;
	v13 =	vadd.f32 v53, v13;
	v53 =	vld [tilespmem:$0x1FE70]  }
0x16d: {  	v32 =	vadd.f32 v55, v60;
	v62 =	vld [tilespmem:s15+$0x70];
	v19 =	vadd.f32 v19, v47  }
0x16e: {  	v56 =	vadd.f32 v8, v63;
	v55 =	vadd.f32 v16, v11;
	v63 =	vld [tilespmem:s14+$0x70]  }
0x16f: {  	v8 =	vmul.f32 v17, v59;
	v49 =	vadd.f32 v19, v32;
	v19 =	vmul.f32 v17, v27  }
0x170: {  	v54 =	vadd.f32 v14, v18;
	v32 =	vadd.f32 v43, v15;
	v43 =	vmul.f32 v17, v1  }
0x171: {  	v8 =	vadd.f32 v8, v28;
	v12 =	vadd.f32 v19, v0;
	v16 =	vmul.f32 v17, v53  }
0x172: {  	v61 =	vadd.f32 v61, v58;
	v15 =	vadd.f32 v43, v2  }
0x173: {  	v11 =	vadd.f32 v63, v62;
	v16 =	vadd.f32 v16, v24  }
0x174: {  	v50 =	vadd.f32 v13, v12;
	v47 =	vadd.f32 v61, v15  }
0x175: {  	v53 =	vadd.f32 v32, v8;
	v43 =	vadd.f32 v11, v16  }
0x176: {  	s9 =	spop (v2sf);
	v13 =	vadd.f32 v49, v54;
	v8 =	vadd.f32 v55, v56  }
0x177: {  	s7 =	smul.f32 $7.812500000e-03, s9;
	v16 =	vadd.f32 v50, v53;
	v19 =	vadd.f32 v43, v47  }
0x178: {  	v14 =	vmul.f32 v54, v54  }
0x179: {  	v12 =	vmul.f32 v55, v55;
	s9 =	smul.f32 s7, s7;
	v8 =	vadd.f32 v13, v8;
	s8 =	spop (v2sf);
	v19 =	vadd.f32 v19, v16  }
0x17a: {  	v62 =	vmul.f32 v49, v49;
	v63 =	vmul.f32 v50, v50;
	s8 =	smul.f32 $7.812500000e-03, s8  }
0x17b: {  	(xrf2) =	vadd.scan.msk.f32 $0xffff, v9;
	v32 =	vmul.f32 v47, v47;
	v17 =	vmul.f32 v53, v53;
	v8 =	vadd.f32 v19, v8  }
0x17c: {  	(xrf2) =	vadd.scan.msk.f32 $0xffff, v10;
	v11 =	vmul.f32 v56, v56;
	v61 =	vmul.f32 v43, v43;
	s8 =	ssub.f32 s8, s9  }
0x17d: {  	v9 =	vld [tilespmem:s15+$0x80];
	v62 =	vadd.f32 v62, v14;
	v63 =	vadd.f32 v63, v17;
	(xrf2) =	vadd.scan.msk.f32 $0xffff, v8  }
0x17e: {  	v10 =	vld [tilespmem:s14+$0x80];
	v11 =	vadd.f32 v12, v11;
	v18 =	vadd.f32 v61, v32;
	v8 =	vmov s8  }
0x17f: {  	v15 =	vld [tilespmem:s14+$0xA0];
	v8 =	vadd.f32 $9.999999960e-13, v8  }
0x180: {  	v14 =	vld [tilespmem:s15+$0xA0];
	v11 =	vadd.f32 v62, v11;
	v32 =	vadd.f32 v18, v63  }
0x181: {  	v12 =	vld [tilespmem:s14+$0x90];
	v8 =	vbroadcast v8, $0x0  }
0x182: {  	v19 =	vld [tilespmem:s15+$0xB0];
	v58 =	vadd.f32 v32, v11  }
0x183: {  	s18 =	sadd.s32 $0x7, s13;
	v18 =	vld [tilespmem:s14+$0xB0];
	v61 =	vshra.s32 v8, $0x1  }
0x184: {  	v11 =	vld [tilespmem:s15+$0x90];
	(xrf2) =	vadd.scan.msk.f32 $0xffff, v58;
	v58 =	vmov s18  }
0x185: {  	v62, _, _ =	vpop (xrf2);
	v16 =	vperm.xlane v57, v58;
	v57 =	vld [tilespmem:s15+$0xC0]  }
0x186: {  	v9 =	vadd.f32 v10, v9;
	(v2sf) =	vpush v62, $0xF;
	v58 =	vld [tilespmem:s14+$0xC0];
	v13 =	vsub.s32 $0x5F3759DF, v61;
	v61, _, _ =	vpop (xrf2)  }
0x187: {  	v14 =	vadd.f32 v15, v14;
	(v2sf) =	vpush v61, $0xF;
	v61 =	vld [tilespmem:s15+$0xD0];
	v62, _, _ =	vpop (xrf2)  }
0x188: {  	v8 =	vmul.f32 $5.000000000e-01, v8;
	v32 =	vmul.f32 v16, v23;
	(v2sf) =	vpush v62, $0xF;
	v62 =	vld [tilespmem:s14+$0xD0]  }
0x189: {  	v18 =	vadd.f32 v18, v19;
	v19 =	vld [tilespmem:s15+$0xF0];
	v23 =	vmul.f32 v16, v21;
	v26 =	vmul.f32 v16, v26  }
0x18a: {  	v21 =	vld [tilespmem:s14+$0xE0];
	v63 =	vmul.f32 v13, v13;
	v10 =	vadd.f32 v32, v29;
	v29 =	vmul.f32 v16, v25  }
0x18b: {  	v11 =	vadd.f32 v12, v11;
	v25 =	vadd.f32 v23, v20;
	v20 =	vld [tilespmem:s15+$0xE0]  }
0x18c: {  	v17 =	vadd.f32 v26, v60;
	v26 =	vld [tilespmem:s14+$0xF0];
	v8 =	vmul.f32 v63, v8;
	v29 =	vadd.f32 v29, v31  }
0x18d: {  	v31 =	vadd.f32 v58, v57;
	v57 =	vmul.f32 v16, v1;
	v58 =	vadd.f32 v62, v61;
	v62 =	vld [tilespmem:$0x1FE70]  }
0x18e: {  	v32 =	vadd.f32 v9, v10;
	v8 =	vsub.f32 $1.500000000e+00, v8  }
0x18f: {  	v60 =	vadd.f32 v14, v29;
	v14 =	vadd.f32 v57, v2;
	v63, _, _ =	vpop (xrf2)  }
0x190: {  	v29 =	vmul.f32 v16, v27;
	v23 =	vadd.f32 v21, v20;
	(v2sf) =	vpush v63, $0xF  }
0x191: {  	v63 =	vadd.f32 v11, v25;
	v25 =	vmul.f32 v16, v59;
	v59 =	vadd.f32 v18, v17  }
0x192: {  	v10 =	vadd.f32 v26, v19;
	v11 =	vadd.f32 v29, v0;
	v16 =	vmul.f32 v16, v62  }
0x193: {  	v26 =	vmul.f32 v60, v60;
	v9 =	vadd.f32 v25, v28;
	v12 =	vadd.f32 v59, v60  }
0x194: {  	v8 =	vmul.f32 v13, v8;
	v61 =	vadd.f32 v58, v11;
	v16 =	vadd.f32 v16, v24  }
0x195: {  	v25 =	vmul.f32 v63, v63;
	v58 =	vadd.f32 v23, v14;
	v62 =	vadd.f32 v31, v9  }
0x196: {  	s9 =	spop (v2sf);
	v27 =	vmul.f32 v59, v59;
	v24 =	vmul.f32 v32, v32;
	v57 =	vadd.f32 v10, v16  }
0x197: {  	s8 =	smul.f32 $7.812500000e-03, s9;
	v21 =	vmul.f32 v58, v58;
	v9 =	vadd.f32 v63, v32;
	v28 =	vadd.f32 v61, v62  }
0x198: {  	v31 =	vmul.f32 v61, v61;
	v10 =	vadd.f32 v25, v24;
	v25 =	vadd.f32 v57, v58  }
0x199: {  	s18 =	smul.f32 s8, s8;
	v29 =	vmul.f32 v62, v62;
	v9 =	vadd.f32 v12, v9;
	s13 =	spop (v2sf);
	v23 =	vmul.f32 v57, v57  }
0x19a: {  	s9 =	smul.f32 $7.812500000e-03, s13;
	v24 =	vadd.f32 v27, v26;
	v27 =	vadd.f32 v25, v28;
	v28 =	vmul.f32 v8, v30  }
0x19b: {  	v2 =	vld [tilespmem:$0x1FFF0];
	v26 =	vadd.f32 v31, v29;
	v11 =	vadd.f32 v23, v21  }
0x19c: {  	v17 =	vmul.f32 s7, v8;
	s13 =	ssub.f32 s9, s18;
	v10 =	vadd.f32 v24, v10;
	v31 =	vmul.f32 v28, v46;
	v46 =	vld [tilespmem:$0x1FE80]  }
0x19d: {  	v11 =	vadd.f32 v11, v26;
	v9 =	vadd.f32 v27, v9  }
0x19e: {  	v20 =	vmul.f32 v8, v22;
	v29 =	vmul.f32 v17, v30;
	v18 =	vmov s13  }
0x19f: {  	v16 =	vmul.f32 v17, v4;
	v25 =	vld [tilespmem:$0x1FE90];
	v14 =	vadd.f32 $9.999999960e-13, v18;
	v10 =	vadd.f32 v11, v10;
	(xrf2) =	vadd.scan.msk.f32 $0xffff, v9  }
0x1a0: {  	v21 =	vmul.f32 v17, v22;
	v23 =	vmul.f32 v8, v2  }
0x1a1: {  	v24 =	vld [tilespmem:$0x1FEC0];
	v28 =	vmul.f32 v20, v40;
	v40 =	vbroadcast v14, $0x0;
	(xrf2) =	vadd.scan.msk.f32 $0xffff, v10;
	v19 =	vsub.f32 v46, v29  }
0x1a2: {  	v13 =	vmul.f32 v23, v41;
	v27 =	vmul.f32 v17, v2  }
0x1a3: {  	v20 =	vmul.f32 v17, v5;
	v23 =	vld [tilespmem:$0x1FEE0];
	v10 =	vadd.f32 v19, v31;
	v31 =	vshra.s32 v40, $0x1  }
0x1a4: {  	v9 =	vsub.f32 v25, v21;
	v21 =	vmul.f32 v17, v7;
	v18 =	vsub.s32 $0x5F3759DF, v31;
	v31 =	vld [tilespmem:$0x1FEA0]  }
0x1a5: {  	v29 =	vmul.f32 v8, v4;
	v19 =	vmul.f32 v8, v5  }
0x1a6: {  	v26 =	vld [tilespmem:$0x1FF10];
	v16 =	vsub.f32 v24, v16;
	v40 =	vmul.f32 $5.000000000e-01, v40;
	v41 =	vmul.f32 v18, v18  }
0x1a7: {  	v9 =	vadd.f32 v9, v28;
	v15 =	vmul.f32 v29, v36;
	v36 =	vmul.f32 v8, v6  }
0x1a8: {  	v20 =	vsub.f32 v23, v20;
	v19 =	vmul.f32 v19, v39;
	v11 =	vmul.f32 v41, v40  }
0x1a9: {  	v39 =	vmul.f32 v17, v6;
	v40 =	vmul.f32 v8, v7;
	v29, _, _ =	vpop (xrf2);
	v14 =	vsub.f32 v31, v27  }
0x1aa: {  	s18 =	spop (v2sf);
	v36 =	vmul.f32 v36, v35;
	v11 =	vsub.f32 $1.500000000e+00, v11;
	(v2sf) =	vpush v29, $0xF;
	v29 =	vld [tilespmem:$0x1FF40]  }
0x1ab: {  	s9 =	spop (v2sf);
	s13 =	smul.f32 $7.812500000e-03, s18;
	v39 =	vsub.f32 v26, v39;
	v8 =	vmul.f32 v8, v3;
	v40 =	vmul.f32 v40, v34;
	v41, _, _ =	vpop (xrf2)  }
0x1ac: {  	s7 =	smul.f32 $7.812500000e-03, s9;
	v12 =	vadd.f32 v14, v13;
	v11 =	vmul.f32 v18, v11;
	(v2sf) =	vpush v41, $0xF  }
0x1ad: {  	s18 =	smul.f32 s13, s13;
	v8 =	vmul.f32 v8, v33;
	v13 =	vadd.f32 v16, v15;
	v15 =	vadd.f32 v20, v19  }
0x1ae: {  	v27 =	vld [tilespmem:$0x1FF60];
	v14 =	vadd.f32 v39, v36;
	v16 =	vmul.f32 v17, v3;
	v20 =	vmul.f32 s8, v11  }
0x1af: {  	s7 =	ssub.f32 s7, s18;
	v36 =	vmul.f32 v11, v22;
	v28 =	vmul.f32 v11, v4;
	v18 =	vsub.f32 v29, v21  }
0x1b0: {  	v41 =	vmul.f32 v20, v30;
	v39 =	vmul.f32 v20, v22  }
0x1b1: {  	v21 =	vmul.f32 v36, v51;
	v17 =	vadd.f32 v18, v40;
	v40 =	vmov s7  }
0x1b2: {  	v51 =	vmul.f32 v20, v2;
	v35 =	vmul.f32 v28, v44;
	v34 =	vadd.f32 $9.999999960e-13, v40  }
0x1b3: {  	v16 =	vsub.f32 v27, v16;
	v28 =	vmul.f32 v20, v5;
	v18 =	vmul.f32 v11, v30  }
0x1b4: {  	v19 =	vsub.f32 v46, v41;
	v41 =	vmul.f32 v11, v2;
	v34 =	vbroadcast v34, $0x0  }
0x1b5: {  	v8 =	vadd.f32 v16, v8;
	v33 =	vsub.f32 v25, v39;
	v18 =	vmul.f32 v18, v52  }
0x1b6: {  	v16 =	vmul.f32 v41, v48;
	v48 =	vmul.f32 v20, v4;
	v52 =	vshra.s32 v34, $0x1  }
0x1b7: {  	v18 =	vadd.f32 v19, v18;
	v19 =	vadd.f32 v33, v21;
	v33 =	vsub.s32 $0x5F3759DF, v52  }
0x1b8: {  	v21 =	vsub.f32 v31, v51;
	v34 =	vmul.f32 $5.000000000e-01, v34;
	v51 =	vmul.f32 v33, v33  }
0x1b9: {  	v44 =	vmul.f32 v11, v6;
	v36 =	vsub.f32 v24, v48;
	v48 =	vmul.f32 v20, v6  }
0x1ba: {  	v52 =	vmul.f32 v11, v5;
	s8 =	spop (v2sf);
	v34 =	vmul.f32 v51, v34  }
0x1bb: {  	v16 =	vadd.f32 v21, v16;
	v35 =	vadd.f32 v36, v35;
	v36 =	vmul.f32 v44, v42;
	s7 =	smul.f32 $7.812500000e-03, s8;
	s9 =	spop (v2sf)  }
0x1bc: {  	v40 =	vmul.f32 v52, v45;
	v52 =	vmul.f32 v20, v7;
	v34 =	vsub.f32 $1.500000000e+00, v34;
	s8 =	smul.f32 $7.812500000e-03, s9  }
0x1bd: {  	v39 =	vsub.f32 v26, v48;
	v51 =	vmul.f32 v11, v7;
	v11 =	vmul.f32 v11, v3;
	s18 =	smul.f32 s7, s7  }
0x1be: {  	v21 =	vsub.f32 v23, v28;
	v20 =	vmul.f32 v20, v3;
	v33 =	vmul.f32 v33, v34  }
0x1bf: {  	v36 =	vadd.f32 v39, v36;
	v38 =	vmul.f32 v51, v38;
	v11 =	vmul.f32 v11, v37;
	s8 =	ssub.f32 s8, s18  }
0x1c0: {  	v21 =	vadd.f32 v21, v40;
	v28 =	vmul.f32 v33, v30;
	v37 =	vmul.f32 s13, v33  }
0x1c1: {  	v34 =	vsub.f32 v29, v52;
	v44 =	vmov s8;
	v48 =	vmul.f32 v33, v22  }
0x1c2: {  	v40 =	vadd.f32 $9.999999960e-13, v44;
	v39 =	vmul.f32 v28, v56;
	v45 =	vmul.f32 v37, v30  }
0x1c3: {  	v34 =	vadd.f32 v34, v38;
	v51 =	vmul.f32 v37, v22;
	v38 =	vmul.f32 v48, v55  }
0x1c4: {  	[tilespmem:s0+$0xFFFFFF10] =	vst v9;
	v28 =	vmul.f32 v33, v2;
	v52 =	vbroadcast v40, $0x0  }
0x1c5: {  	[tilespmem:s0+$0xFFFFFF00] =	vst v10;
	v20 =	vsub.f32 v27, v20;
	v44 =	vmul.f32 v37, v2;
	v55 =	vmul.f32 v37, v4  }
0x1c6: {  	[tilespmem:s0+$0xFFFFFF20] =	vst v12;
	v42 =	vmul.f32 v37, v6;
	v56 =	vsub.f32 v46, v45;
	v45 =	vshra.s32 v52, $0x1  }
0x1c7: {  	[tilespmem:s0+$0xFFFFFF30] =	vst v13;
	v40 =	vmul.f32 v33, v6;
	v48 =	vmul.f32 v28, v54;
	v41 =	vsub.s32 $0x5F3759DF, v45  }
0x1c8: {  	[tilespmem:s0+$0xFFFFFF40] =	vst v15;
	v10 =	vadd.f32 v20, v11;
	v52 =	vmul.f32 $5.000000000e-01, v52;
	v54 =	vmul.f32 v41, v41  }
0x1c9: {  	[tilespmem:s0+$0xFFFFFF50] =	vst v14;
	v11 =	vsub.f32 v25, v51;
	v51 =	vmul.f32 v33, v4;
	v12 =	vsub.f32 v31, v44  }
0x1ca: {  	[tilespmem:s0+$0xFFFFFF60] =	vst v17;
	v14 =	vsub.f32 v24, v55;
	v44 =	vmul.f32 v33, v7;
	v28 =	vmul.f32 v54, v52  }
0x1cb: {  	[tilespmem:s0+$0xFFFFFF70] =	vst v8;
	v9 =	vadd.f32 v56, v39;
	v56 =	vmul.f32 v33, v5;
	v8 =	vmul.f32 v51, v49  }
0x1cc: {  	v1 =	vmovc v22;
	[tilespmem:s0+$0xFFFFFF80] =	vst v18;
	v39 =	vmul.f32 v37, v5;
	v45 =	vmul.f32 v40, v50;
	v13 =	vsub.f32 $1.500000000e+00, v28  }
0x1cd: {  	[tilespmem:s0+$0xFFFFFF90] =	vst v19;
	v12 =	vadd.f32 v12, v48;
	v48 =	vmul.f32 v44, v47;
	v49 =	vmul.f32 v33, v3  }
0x1ce: {  	[tilespmem:s0+$0xFFFFFFA0] =	vst v16;
	v11 =	vadd.f32 v11, v38;
	v50 =	vmul.f32 v37, v7;
	v13 =	vmul.f32 v41, v13  }
0x1cf: {  	[tilespmem:s0+$0xFFFFFFB0] =	vst v35;
	v38 =	vmul.f32 v56, v53;
	v8 =	vadd.f32 v14, v8;
	v51 =	vmul.f32 v49, v43  }
0x1d0: {  	v0 =	vmovc v30;
	[tilespmem:s0+$0xFFFFFFD0] =	vst v36;
	v17 =	vsub.f32 v23, v39;
	v52 =	vmul.f32 v37, v3;
	v20 =	vmul.f32 s7, v13  }
0x1d1: {  	[tilespmem:s0+$0xFFFFFFC0] =	vst v21;
	v14 =	vsub.f32 v26, v42;
	v53 =	vmul.f32 v13, v30;
	v56 =	vmul.f32 v13, v22  }
0x1d2: {  	[tilespmem:s0+$0xFFFFFFF0] =	vst v10;
	v15 =	vadd.f32 v17, v38;
	v36 =	vmul.f32 v13, v2;
	v39 =	vmul.f32 v13, v4  }
0x1d3: {  	[tilespmem:s0+$0xFFFFFFE0] =	vst v34;
	v14 =	vadd.f32 v14, v45;
	v43 =	vmul.f32 v13, v5;
	v45 =	vmul.f32 v13, v6  }
0x1d4: {  	[tilespmem:s0+$0x0] =	vst v9;
	v17 =	vsub.f32 v29, v50;
	v54 =	vmul.f32 v20, v30;
	v22 =	vmul.f32 v20, v22  }
0x1d5: {  	[tilespmem:s0+$0x10] =	vst v11;
	v55 =	vsub.f32 v27, v52;
	v30 =	vmul.f32 v53, v32;
	v33 =	vmul.f32 v56, v63  }
0x1d6: {  	[tilespmem:s0+$0x20] =	vst v12;
	v28 =	vadd.f32 v17, v48;
	v38 =	vmul.f32 v20, v2;
	v40 =	vmul.f32 v20, v4  }
0x1d7: {  	[tilespmem:s0+$0x30] =	vst v8;
	v10 =	vadd.f32 v55, v51;
	v41 =	vmul.f32 v36, v60;
	v11 =	vmul.f32 v39, v59  }
0x1d8: {  	[tilespmem:s0+$0x40] =	vst v15;
	v47 =	vmul.f32 v43, v62;
	v48 =	vmul.f32 v20, v5;
	v32 =	vsub.f32 v46, v54  }
0x1d9: {  	[tilespmem:s0+$0x50] =	vst v14;
	v50 =	vmul.f32 v45, v61;
	v51 =	vmul.f32 v20, v6;
	v34 =	vsub.f32 v25, v22  }
0x1da: {  	[tilespmem:s0+$0x60] =	vst v28;
	v53 =	vmul.f32 v13, v7;
	v42 =	vsub.f32 v31, v38;
	v35 =	vadd.f32 v32, v30  }
0x1db: {  	[tilespmem:s0+$0x70] =	vst v10;
	v13 =	vmul.f32 v13, v3;
	v44 =	vsub.f32 v24, v40;
	v8 =	vadd.f32 v34, v33  }
0x1dc: {  	v52 =	vsub.f32 v23, v48;
	v54 =	vmul.f32 v20, v7;
	v46 =	vadd.f32 v42, v41;
	[tilespmem:s0+$0x80] =	vst v35  }
0x1dd: {  	v55 =	vmul.f32 v20, v3;
	v49 =	vadd.f32 v44, v11;
	[tilespmem:s0+$0x90] =	vst v8;
	v8 =	vsub.f32 v26, v51  }
0x1de: {  	p0 =	slt.u32 s17, $0x3C;
	v58 =	vmul.f32 v53, v58;
	v56 =	vadd.f32 v52, v47;
	v60 =	vsub.f32 v29, v54;
	[tilespmem:s0+$0xA0] =	vst v46  }
.Ltmp1:
0x1df: {  	v61 =	vmul.f32 v13, v57;
	v62 =	vsub.f32 v27, v55;
	[tilespmem:s0+$0xB0] =	vst v49;
	v8 =	vadd.f32 v8, v50;
	(pc) =	sbr.rel @p0 .LBB2_5-.Ltmp1, $4  }
0x1e0: {  	[tilespmem:s0+$0xC0] =	vst v56;
	v63 =	vadd.f32 v60, v58  }
0x1e1: {  	[tilespmem:s0+$0xD0] =	vst v8;
	v8 =	vadd.f32 v62, v61  }
0x1e2: {  	s15 =	sadd.s32 $0x200, s15;
	v37 =	vld [tilespmem:$0x1FE70];
	[tilespmem:s0+$0xE0] =	vst v63  }
0x1e3: {  	s14 =	sadd.s32 $0x200, s14;
	s13 =	smov.u32 s17;
	v59 =	vld [tilespmem:$0x1FEB0];
	[tilespmem:s0+$0xF0] =	vst v8;
	s0 =	sadd.s32 $0x200, s0  }
0x1e4: {  	v10 =	vld [tilespmem:$0x1FFB0]  }
0x1e5: {  	v11 =	vld [tilespmem:$0x1FFE0]  }
0x1e6: {  	s31 =	sadd.s32 $0x1, s31;
	v12 =	vld [tilespmem:$0x1FF30]  }
0x1e7: {  	v24 =	vld [tilespmem:$0x1FED0];
	p0 =	sne.s32 s31, $0x32  }
.Ltmp2:
0x1e8: {  	v25 =	vld [tilespmem:$0x1FEF0];
	(pc) =	sbr.rel @p0 .LBB2_2-.Ltmp2, $4  }
0x1e9: {  	s0 =	sadd.s32 s5, s2;
	v26 =	vld [tilespmem:$0x1FF20]  }
0x1ea: {  	v18 =	vld [tilespmem:$0x1FF50];
	s0 =	sshll.u32 s0, $0x4  }
0x1eb: {  	v29 =	vld [tilespmem:$0x1FF70];
	s0 =	sadd.s32 s4, s0  }
0x1ec: {  	v19 =	vld [tilespmem:$0x1FFD0];
	[hbm4b:s0+s6] =	stream.linear.scatter [tilespmem:s26], [sflag:$0x6], $0x2000, $0x38  }
0x1ed: {  	s30 =	sadd.s32 $0x1, s30  }
0x1ee: {  	_ =	swait.ge [sflag:s28], $0x2000;
	p0 =	sne.s32 s30, s11  }
.Ltmp3:
0x1ef: {  	[sflag:s28] =	ssyncset.done $0x0;
	(pc) =	sbr.rel @p0 .LBB2_1-.Ltmp3, $4  }
0x1f0: {  	[sflag:s28] =	ssyncadd.s32 $0xFFFFE000  }
0x1f1: {  	_ =	swait.ge [sflag:s29], $0x2000  }
0x1f2: {  	[sflag:s29] =	ssyncset.done $0x0  }
0x1f3: {  	[sflag:s29] =	ssyncadd.s32 $0xFFFFE000  }
0x1f4: {  	_ =	sfence.sel $0x180000  }
0x1f5: {  	[bflag:$0x0] =	sbarrier.arrive $0xFFFF  }
0x1f6: {  	_ =	strace $0x90000047  }
0x1f7: {  	s0 =	stileid.u32;
	[bflag:$0x2] =	sbarrier.arrive $0xFFFF  }
0x1f8: {  	p0 =	sne.s32 s0, $0x0;
	s0 =	rddreg [dreg:$0x4]  }
0x1f9: {  	s0 =	sadd.s32 @!p0 $0x100000, s0  }
0x1fa: {  	[sflag:s0] =	ssyncadd.tile.s32 @!p0 $0x1;
	_ =	shalt  }
.Lfunc_end2:
_tile_overlayer_lowered:
.L_overlay_start_2:
0x1fb: {  	(tag) =	ssettag $0x2  }
0x1fc: {  	s0 =	rddreg [dreg:$0x0];
	s2 =	stileid.u32  }
0x1fd: {  	s1 =	rddreg [dreg:$0x1];
	p0 =	sne.s32 s2, $0x0  }
0x1fe: {  	s3 =	rddreg [dreg:$0x2];
	[bflag:$0x3] =	sbarrier.arrive $0xFFFF;
	s2 =	simm.s32 @!p0 $0x1C07  }
0x1ff: {  	[timem:s3], [sflag:s2] =	dma.local @!p0 [hbm:s0], s1  }
0x200: {  	s0 =	simm.s32 @!p0 $0x7  }
0x201: {  	_ =	swait.ge @!p0 [sflag:s0], s1  }
0x202: {  	s1 =	ssub.s32 @!p0 $0x0, s1;
	[sflag:s0] =	ssyncset.done @!p0 $0x0  }
0x203: {  	[sflag:s0] =	ssyncadd.s32 @!p0 s1  }
0x204: {  	[bflag:$0x3] =	sbarrier.arrive $0xFFFF  }
0x205: {  	_ =	shalt  }

</sc_bundles>
